<compile_context>
chip_gen: v7x
topology: tpu7x:2x2x1
jax: 0.10.2.dev20260603
libtpu: 0.0.44.dev20260713+nightly
codegen_flags: <defaults>
</compile_context>

<pallas_src>
import functools

import jax
import jax.numpy as jnp
from jax import lax
from jax.experimental import pallas as pl
from jax.experimental.pallas import tpu as pltpu
from jax.experimental.pallas import tpu_sc as plsc

N = 100000
E = 1600000
G = 1024
F_XS, F_XT, F_E, F_U, F_OUT = 10, 5, 10, 10, 5

PAD = 8
NC, NS = 2, 16
NW = NC * NS
EW = E // NW
CHUNK = 1000
NCH = EW // CHUNK

BN = 2048
NP = 102400


def _project_nodes_body(xst_ref, xtt_ref, w1_ref, ps_ref, pt_ref):
    w = w1_ref[...]
    dn = (((0,), (0,)), ((), ()))
    ps = lax.dot_general(xst_ref[...], w[0:F_XS], dn,
                         preferred_element_type=jnp.float32)
    pt = lax.dot_general(xtt_ref[...], w[F_XS:F_XS + F_XT], dn,
                         preferred_element_type=jnp.float32)
    z = jnp.zeros((BN, PAD - F_OUT), jnp.float32)
    ps_ref[...] = jnp.concatenate([ps, z], axis=1)
    pt_ref[...] = jnp.concatenate([pt, z], axis=1)


def _project_nodes(x_st, x_tt, w1):
    x_st = jnp.pad(x_st, ((0, 0), (0, NP - N)))
    x_tt = jnp.pad(x_tt, ((0, 0), (0, NP - N)))
    return pl.pallas_call(
        _project_nodes_body,
        grid=(NP // BN,),
        in_specs=[
            pl.BlockSpec((F_XS, BN), lambda i: (0, i)),
            pl.BlockSpec((F_XT, BN), lambda i: (0, i)),
            pl.BlockSpec(w1.shape, lambda i: (0, 0)),
        ],
        out_specs=[
            pl.BlockSpec((BN, PAD), lambda i: (i, 0)),
            pl.BlockSpec((BN, PAD), lambda i: (i, 0)),
        ],
        out_shape=[
            jax.ShapeDtypeStruct((NP, PAD), jnp.float32),
            jax.ShapeDtypeStruct((NP, PAD), jnp.float32),
        ],
    )(x_st, x_tt, w1)


def _project_globals_body(ut_ref, w1_ref, b1_ref, pu_ref):
    w = w1_ref[...]
    dn = (((0,), (0,)), ((), ()))
    pu = lax.dot_general(ut_ref[...], w[F_XS + F_XT + F_E:], dn,
                         preferred_element_type=jnp.float32) + b1_ref[...]
    z = jnp.zeros((G, PAD - F_OUT), jnp.float32)
    pu_ref[...] = jnp.concatenate([pu, z], axis=1)


def _project_globals(ut, w1, b1):
    return pl.pallas_call(
        _project_globals_body,
        out_shape=jax.ShapeDtypeStruct((G, PAD), jnp.float32),
    )(ut, w1, b1.reshape(1, F_OUT))


def _sc_gather_body(ps_hbm, pt_hbm, pu_hbm, ei_hbm, be_hbm,
                    gs_hbm, gt_hbm, gu_hbm,
                    src_v, tgt_v, be_v, rs_v, rt_v, ru_v,
                    sem_i0, sem_i1, sem_g0, sem_g1, sem_w0, sem_w1):
    wid = lax.axis_index("s") * NC + lax.axis_index("c")
    base0 = wid * EW
    sem_i = (sem_i0, sem_i1)
    sem_g = (sem_g0, sem_g1)
    sem_w = (sem_w0, sem_w1)

    def issue_idx(b, base):
        pltpu.async_copy(ei_hbm.at[0, pl.ds(base, CHUNK)], src_v.at[b],
                         sem_i[b])
        pltpu.async_copy(ei_hbm.at[1, pl.ds(base, CHUNK)], tgt_v.at[b],
                         sem_i[b])
        pltpu.async_copy(be_hbm.at[pl.ds(base, CHUNK)], be_v.at[b],
                         sem_i[b])

    def wait_idx(b):
        for _ in range(3):
            pltpu.make_async_copy(be_hbm.at[pl.ds(0, CHUNK)], be_v.at[b],
                                  sem_i[b]).wait()

    def issue_gather(b):
        pltpu.async_copy(ps_hbm.at[src_v.at[b]], rs_v.at[b], sem_g[b])
        pltpu.async_copy(pt_hbm.at[tgt_v.at[b]], rt_v.at[b], sem_g[b])
        pltpu.async_copy(pu_hbm.at[be_v.at[b]], ru_v.at[b], sem_g[b])

    def wait_gather(b):
        for _ in range(3):
            pltpu.make_async_copy(ps_hbm.at[pl.ds(0, CHUNK)], rs_v.at[b],
                                  sem_g[b]).wait()

    def issue_wb(b, base):
        pltpu.async_copy(rs_v.at[b], gs_hbm.at[pl.ds(base, CHUNK)], sem_w[b])
        pltpu.async_copy(rt_v.at[b], gt_hbm.at[pl.ds(base, CHUNK)], sem_w[b])
        pltpu.async_copy(ru_v.at[b], gu_hbm.at[pl.ds(base, CHUNK)], sem_w[b])

    def wait_wb(b):
        for _ in range(3):
            pltpu.make_async_copy(rs_v.at[b], gs_hbm.at[pl.ds(0, CHUNK)],
                                  sem_w[b]).wait()

    issue_idx(0, base0)
    issue_idx(1, base0 + CHUNK)

    def pair_body(ci2, carry):
        for b in range(2):
            ci = 2 * ci2 + b
            base = base0 + ci * CHUNK
            wait_idx(b)

            @pl.when(ci >= 2)
            def _reclaim_buffer():
                wait_wb(b)

            issue_gather(b)

            @pl.when(ci >= 1)
            def _retire_prev():
                wait_gather(1 - b)
                issue_wb(1 - b, base - CHUNK)

                @pl.when(ci + 1 < NCH)
                def _prefetch():
                    issue_idx(1 - b, base + CHUNK)

        return carry

    lax.fori_loop(0, NCH // 2, pair_body, 0)
    wait_gather(1)
    issue_wb(1, base0 + EW - CHUNK)
    wait_wb(0)
    wait_wb(1)


def _sc_gather(ps, pt, pu, edge_index, be):
    kern = functools.partial(
        pl.kernel,
        out_type=(
            jax.ShapeDtypeStruct((E, PAD), jnp.float32),
            jax.ShapeDtypeStruct((E, PAD), jnp.float32),
            jax.ShapeDtypeStruct((E, PAD), jnp.float32),
        ),
        mesh=plsc.VectorSubcoreMesh(core_axis_name="c", subcore_axis_name="s"),
        compiler_params=pltpu.CompilerParams(use_tc_tiling_on_sc=False),
        scratch_types=[
            pltpu.VMEM((2, CHUNK), jnp.int32),
            pltpu.VMEM((2, CHUNK), jnp.int32),
            pltpu.VMEM((2, CHUNK), jnp.int32),
            pltpu.VMEM((2, CHUNK, PAD), jnp.float32),
            pltpu.VMEM((2, CHUNK, PAD), jnp.float32),
            pltpu.VMEM((2, CHUNK, PAD), jnp.float32),
            pltpu.SemaphoreType.DMA,
            pltpu.SemaphoreType.DMA,
            pltpu.SemaphoreType.DMA,
            pltpu.SemaphoreType.DMA,
            pltpu.SemaphoreType.DMA,
            pltpu.SemaphoreType.DMA,
        ],
    )(_sc_gather_body)
    return kern(ps, pt, pu, edge_index, be)


R = 64
ROWS = E // R
BR = 1000


def _epilogue_body(gs_ref, gt_ref, gu_ref, ea_ref, sel_ref, bd1_ref,
                   bd2_ref, b2_ref, o_ref):
    g = (gs_ref[...] + gt_ref[...] + gu_ref[...]).reshape(BR, R * PAD)
    hs = jnp.dot(g, sel_ref[...], preferred_element_type=jnp.float32)
    d = jnp.dot(ea_ref[...], bd1_ref[...], preferred_element_type=jnp.float32)
    h = hs + d
    h = jnp.where(h > 0, h, 0.1 * h)
    o_ref[...] = jnp.dot(h, bd2_ref[...],
                         preferred_element_type=jnp.float32) + b2_ref[...]


def _epilogue(gs, gt, gu, edge_attr, w1e, w2, b2):
    gs_p = gs.reshape(E * PAD)
    gt_p = gt.reshape(E * PAD)
    gu_p = gu.reshape(E * PAD)
    ea_p = edge_attr.reshape(ROWS, R * F_E)
    eye = jnp.eye(R, dtype=jnp.float32)
    p85 = jnp.zeros((PAD, F_OUT), jnp.float32).at[:F_OUT, :].set(
        jnp.eye(F_OUT, dtype=jnp.float32))
    sel = jnp.kron(eye, p85)
    bd1 = jnp.kron(eye, w1e)
    bd2 = jnp.kron(eye, w2)
    b2_t = jnp.tile(b2, R).reshape(1, R * F_OUT)
    out_p = pl.pallas_call(
        _epilogue_body,
        grid=(ROWS // BR,),
        in_specs=[
            pl.BlockSpec((BR * R * PAD,), lambda i: (i,)),
            pl.BlockSpec((BR * R * PAD,), lambda i: (i,)),
            pl.BlockSpec((BR * R * PAD,), lambda i: (i,)),
            pl.BlockSpec((BR, R * F_E), lambda i: (i, 0)),
            pl.BlockSpec((R * PAD, R * F_OUT), lambda i: (0, 0)),
            pl.BlockSpec((R * F_E, R * F_OUT), lambda i: (0, 0)),
            pl.BlockSpec((R * F_OUT, R * F_OUT), lambda i: (0, 0)),
            pl.BlockSpec((1, R * F_OUT), lambda i: (0, 0)),
        ],
        out_specs=pl.BlockSpec((BR, R * F_OUT), lambda i: (i, 0)),
        out_shape=jax.ShapeDtypeStruct((ROWS, R * F_OUT), jnp.float32),
    )(gs_p, gt_p, gu_p, ea_p, sel, bd1, bd2, b2_t)
    return out_p.reshape(E, F_OUT)


def kernel(x_s, x_t, edge_index, edge_attr, u, batch_e, W1, b1, W2, b2):
    w1e = W1[F_XS + F_XT:F_XS + F_XT + F_E]
    ps, pt = _project_nodes(x_s.T, x_t.T, W1)
    pu = _project_globals(u.T, W1, b1)
    gs, gt, gu = _sc_gather(ps, pt, pu, edge_index, batch_e)
    return _epilogue(gs, gt, gu, edge_attr, w1e, W2, b2)

# --- scband reference (transcript-rebuilt; emitter-appended) ---
"""Pipeline reference for scband-edge-model-out-74663711473944 (READ-ONLY COPY).

The authoritative reference and input builder live on the scoring server;
editing this copy changes nothing except your own understanding.
"""

import jax, jax.numpy as jnp
import numpy as np

N = 100000
E = 1600000
G = 1024
F_xs, F_xt, F_e, F_u, F_e_out = 10, 5, 10, 10, 5


def setup_inputs(seed: int = 0) -> dict:
    key = jax.random.key(seed)
    ks = jax.random.split(key, 10)
    x_s = jax.random.normal(ks[0], (N, F_xs), dtype=jnp.float32)
    x_t = jax.random.normal(ks[1], (N, F_xt), dtype=jnp.float32)
    edge_index = jax.random.randint(ks[2], (2, E), 0, N, dtype=jnp.int32)
    edge_attr = jax.random.normal(ks[3], (E, F_e), dtype=jnp.float32)
    u = jax.random.normal(ks[4], (G, F_u), dtype=jnp.float32)
    batch_e = jax.random.randint(ks[5], (E,), 0, G, dtype=jnp.int32)
    d_in = F_xs + F_xt + F_e + F_u
    bound1 = 1.0 / np.sqrt(d_in)
    W1 = jax.random.uniform(ks[6], (d_in, F_e_out), minval=-bound1, maxval=bound1, dtype=jnp.float32)
    b1 = jax.random.uniform(ks[7], (F_e_out,), minval=-bound1, maxval=bound1, dtype=jnp.float32)
    bound2 = 1.0 / np.sqrt(F_e_out)
    W2 = jax.random.uniform(ks[8], (F_e_out, F_e_out), minval=-bound2, maxval=bound2, dtype=jnp.float32)
    b2 = jax.random.uniform(ks[9], (F_e_out,), minval=-bound2, maxval=bound2, dtype=jnp.float32)
    return {"x_s": x_s, "x_t": x_t, "edge_index": edge_index, "edge_attr": edge_attr, "u": u, "batch_e": batch_e, "W1": W1, "b1": b1, "W2": W2, "b2": b2}


def reference(x_s, x_t, edge_index, edge_attr, u, batch_e, W1, b1, W2, b2):
    src = edge_index[0]
    tgt = edge_index[1]
    h = jnp.concatenate([jnp.take(x_s, src, axis=0), jnp.take(x_t, tgt, axis=0), edge_attr, jnp.take(u, batch_e, axis=0)], axis=-1)
    h = h @ W1 + b1
    h = jnp.where(h > 0, h, 0.1 * h)
    return h @ W2 + b2

if __name__ == "__main__":
    import jax
    _d = setup_inputs()
    print(jax.jit(kernel)(*tuple(_d.values())))

</pallas_src>

<mosaic_0001>
#map = affine_map<(d0, d1) -> (0, 0)>
#map1 = affine_map<(d0, d1) -> (0)>
module attributes {stable_mosaic.version = 14 : i64} {
  func.func @_sc_gather_body(%arg0: i32, %arg1: i32, %arg2: memref<102400x8xf32, #tpu.memory_space<hbm>>, %arg3: memref<102400x8xf32, #tpu.memory_space<hbm>>, %arg4: memref<1024x8xf32, #tpu.memory_space<hbm>>, %arg5: memref<2x1600000xi32, #tpu.memory_space<hbm>>, %arg6: memref<1600000xi32, #tpu.memory_space<hbm>>, %arg7: memref<1600000x8xf32, #tpu.memory_space<hbm>>, %arg8: memref<1600000x8xf32, #tpu.memory_space<hbm>>, %arg9: memref<1600000x8xf32, #tpu.memory_space<hbm>>, %arg10: memref<2x1000xi32, #tpu.memory_space<vmem>>, %arg11: memref<2x1000xi32, #tpu.memory_space<vmem>>, %arg12: memref<2x1000xi32, #tpu.memory_space<vmem>>, %arg13: memref<2x1000x8xf32, #tpu.memory_space<vmem>>, %arg14: memref<2x1000x8xf32, #tpu.memory_space<vmem>>, %arg15: memref<2x1000x8xf32, #tpu.memory_space<vmem>>, %arg16: memref<!tpu.dma_semaphore, #tpu.memory_space<semaphore_mem>>, %arg17: memref<!tpu.dma_semaphore, #tpu.memory_space<semaphore_mem>>, %arg18: memref<!tpu.dma_semaphore, #tpu.memory_space<semaphore_mem>>, %arg19: memref<!tpu.dma_semaphore, #tpu.memory_space<semaphore_mem>>, %arg20: memref<!tpu.dma_semaphore, #tpu.memory_space<semaphore_mem>>, %arg21: memref<!tpu.dma_semaphore, #tpu.memory_space<semaphore_mem>>) attributes {dimension_semantics = [#tpu.dimension_semantics<core_parallel>, #tpu.dimension_semantics<subcore_parallel>], iteration_bounds = array<i64: 2, 16>, scalar_prefetch = 0 : i64, scratch_operands = 12 : i64, tpu.core_type = #tpu.core_type<sc_vector_subcore>, window_params = [{transform_indices = #map}, {transform_indices = #map}, {transform_indices = #map}, {transform_indices = #map}, {transform_indices = #map1}, {transform_indices = #map}, {transform_indices = #map}, {transform_indices = #map}]} {
    %mul3A = arith.constant 2 : i32
    %mul3A_0 = arith.muli %arg1, %mul3A : i32
    %add3A = arith.addi %mul3A_0, %arg0 : i32
    %mul3A_1 = arith.constant 50000 : i32
    %mul3A_2 = arith.muli %add3A, %mul3A_1 : i32
    %dma_start3A = arith.constant 0 : i32
    %dma_start3A_3 = arith.constant 0 : i32
    %dma_start3A_4 = arith.constant 0 : i32
    %dma_start3A_5 = tpu.memref_slice %arg10[%dma_start3A_3, %dma_start3A_4] : memref<2x1000xi32, #tpu.memory_space<vmem>> -> memref<1x1000xi32, #tpu.memory_space<vmem>>
    %dma_start3A_6 = tpu.memref_squeeze %dma_start3A_5 : memref<1x1000xi32, #tpu.memory_space<vmem>> -> memref<1000xi32, #tpu.memory_space<vmem>>
    %dma_start3A_7 = tpu.memref_slice %arg5[%dma_start3A, %mul3A_2] : memref<2x1600000xi32, #tpu.memory_space<hbm>> -> memref<1x1000xi32, #tpu.memory_space<hbm>>
    %dma_start3A_8 = tpu.memref_squeeze %dma_start3A_7 : memref<1x1000xi32, #tpu.memory_space<hbm>> -> memref<1000xi32, #tpu.memory_space<hbm>>
    %dma_start3A_9 = arith.constant 0 : i32
    %dma_start3A_10 = tpu.memref_slice %arg10[%dma_start3A_3, %dma_start3A_9] : memref<2x1000xi32, #tpu.memory_space<vmem>> -> memref<1x1000xi32, #tpu.memory_space<vmem>>
    %dma_start3A_11 = tpu.memref_squeeze %dma_start3A_10 : memref<1x1000xi32, #tpu.memory_space<vmem>> -> memref<1000xi32, #tpu.memory_space<vmem>>
    %dma_start3A_12 = tpu.memref_slice %arg5[%dma_start3A, %mul3A_2] : memref<2x1600000xi32, #tpu.memory_space<hbm>> -> memref<1x1000xi32, #tpu.memory_space<hbm>>
    %dma_start3A_13 = tpu.memref_squeeze %dma_start3A_12 : memref<1x1000xi32, #tpu.memory_space<hbm>> -> memref<1000xi32, #tpu.memory_space<hbm>>
    tpu.enqueue_dma source(%dma_start3A_13 : memref<1000xi32, #tpu.memory_space<hbm>>) target(%dma_start3A_11 : memref<1000xi32, #tpu.memory_space<vmem>>) target_semaphore(%arg16 : memref<!tpu.dma_semaphore, #tpu.memory_space<semaphore_mem>>)
    %dma_start3A_14 = arith.constant 1 : i32
    %dma_start3A_15 = arith.constant 0 : i32
    %dma_start3A_16 = arith.constant 0 : i32
    %dma_start3A_17 = tpu.memref_slice %arg11[%dma_start3A_15, %dma_start3A_16] : memref<2x1000xi32, #tpu.memory_space<vmem>> -> memref<1x1000xi32, #tpu.memory_space<vmem>>
    %dma_start3A_18 = tpu.memref_squeeze %dma_start3A_17 : memref<1x1000xi32, #tpu.memory_space<vmem>> -> memref<1000xi32, #tpu.memory_space<vmem>>
    %dma_start3A_19 = tpu.memref_slice %arg5[%dma_start3A_14, %mul3A_2] : memref<2x1600000xi32, #tpu.memory_space<hbm>> -> memref<1x1000xi32, #tpu.memory_space<hbm>>
    %dma_start3A_20 = tpu.memref_squeeze %dma_start3A_19 : memref<1x1000xi32, #tpu.memory_space<hbm>> -> memref<1000xi32, #tpu.memory_space<hbm>>
    %dma_start3A_21 = arith.constant 0 : i32
    %dma_start3A_22 = tpu.memref_slice %arg11[%dma_start3A_15, %dma_start3A_21] : memref<2x1000xi32, #tpu.memory_space<vmem>> -> memref<1x1000xi32, #tpu.memory_space<vmem>>
    %dma_start3A_23 = tpu.memref_squeeze %dma_start3A_22 : memref<1x1000xi32, #tpu.memory_space<vmem>> -> memref<1000xi32, #tpu.memory_space<vmem>>
    %dma_start3A_24 = tpu.memref_slice %arg5[%dma_start3A_14, %mul3A_2] : memref<2x1600000xi32, #tpu.memory_space<hbm>> -> memref<1x1000xi32, #tpu.memory_space<hbm>>
    %dma_start3A_25 = tpu.memref_squeeze %dma_start3A_24 : memref<1x1000xi32, #tpu.memory_space<hbm>> -> memref<1000xi32, #tpu.memory_space<hbm>>
    tpu.enqueue_dma source(%dma_start3A_25 : memref<1000xi32, #tpu.memory_space<hbm>>) target(%dma_start3A_23 : memref<1000xi32, #tpu.memory_space<vmem>>) target_semaphore(%arg16 : memref<!tpu.dma_semaphore, #tpu.memory_space<semaphore_mem>>)
    %dma_start3A_26 = arith.constant 0 : i32
    %dma_start3A_27 = arith.constant 0 : i32
    %dma_start3A_28 = tpu.memref_slice %arg12[%dma_start3A_26, %dma_start3A_27] : memref<2x1000xi32, #tpu.memory_space<vmem>> -> memref<1x1000xi32, #tpu.memory_space<vmem>>
    %dma_start3A_29 = tpu.memref_squeeze %dma_start3A_28 : memref<1x1000xi32, #tpu.memory_space<vmem>> -> memref<1000xi32, #tpu.memory_space<vmem>>
    %dma_start3A_30 = tpu.memref_slice %arg6[%mul3A_2] : memref<1600000xi32, #tpu.memory_space<hbm>> -> memref<1000xi32, #tpu.memory_space<hbm>>
    %dma_start3A_31 = arith.constant 0 : i32
    %dma_start3A_32 = tpu.memref_slice %arg12[%dma_start3A_26, %dma_start3A_31] : memref<2x1000xi32, #tpu.memory_space<vmem>> -> memref<1x1000xi32, #tpu.memory_space<vmem>>
    %dma_start3A_33 = tpu.memref_squeeze %dma_start3A_32 : memref<1x1000xi32, #tpu.memory_space<vmem>> -> memref<1000xi32, #tpu.memory_space<vmem>>
    %dma_start3A_34 = tpu.memref_slice %arg6[%mul3A_2] : memref<1600000xi32, #tpu.memory_space<hbm>> -> memref<1000xi32, #tpu.memory_space<hbm>>
    tpu.enqueue_dma source(%dma_start3A_34 : memref<1000xi32, #tpu.memory_space<hbm>>) target(%dma_start3A_33 : memref<1000xi32, #tpu.memory_space<vmem>>) target_semaphore(%arg16 : memref<!tpu.dma_semaphore, #tpu.memory_space<semaphore_mem>>)
    %add3A_35 = arith.constant 1000 : i32
    %add3A_36 = arith.addi %mul3A_2, %add3A_35 : i32
    %dma_start3A_37 = arith.constant 0 : i32
    %dma_start3A_38 = arith.constant 1 : i32
    %dma_start3A_39 = arith.constant 0 : i32
    %dma_start3A_40 = tpu.memref_slice %arg10[%dma_start3A_38, %dma_start3A_39] : memref<2x1000xi32, #tpu.memory_space<vmem>> -> memref<1x1000xi32, #tpu.memory_space<vmem>>
    %dma_start3A_41 = tpu.memref_squeeze %dma_start3A_40 : memref<1x1000xi32, #tpu.memory_space<vmem>> -> memref<1000xi32, #tpu.memory_space<vmem>>
    %dma_start3A_42 = tpu.memref_slice %arg5[%dma_start3A_37, %add3A_36] : memref<2x1600000xi32, #tpu.memory_space<hbm>> -> memref<1x1000xi32, #tpu.memory_space<hbm>>
    %dma_start3A_43 = tpu.memref_squeeze %dma_start3A_42 : memref<1x1000xi32, #tpu.memory_space<hbm>> -> memref<1000xi32, #tpu.memory_space<hbm>>
    %dma_start3A_44 = arith.constant 0 : i32
    %dma_start3A_45 = tpu.memref_slice %arg10[%dma_start3A_38, %dma_start3A_44] : memref<2x1000xi32, #tpu.memory_space<vmem>> -> memref<1x1000xi32, #tpu.memory_space<vmem>>
    %dma_start3A_46 = tpu.memref_squeeze %dma_start3A_45 : memref<1x1000xi32, #tpu.memory_space<vmem>> -> memref<1000xi32, #tpu.memory_space<vmem>>
    %dma_start3A_47 = tpu.memref_slice %arg5[%dma_start3A_37, %add3A_36] : memref<2x1600000xi32, #tpu.memory_space<hbm>> -> memref<1x1000xi32, #tpu.memory_space<hbm>>
    %dma_start3A_48 = tpu.memref_squeeze %dma_start3A_47 : memref<1x1000xi32, #tpu.memory_space<hbm>> -> memref<1000xi32, #tpu.memory_space<hbm>>
    tpu.enqueue_dma source(%dma_start3A_48 : memref<1000xi32, #tpu.memory_space<hbm>>) target(%dma_start3A_46 : memref<1000xi32, #tpu.memory_space<vmem>>) target_semaphore(%arg17 : memref<!tpu.dma_semaphore, #tpu.memory_space<semaphore_mem>>)
    %dma_start3A_49 = arith.constant 1 : i32
    %dma_start3A_50 = arith.constant 1 : i32
    %dma_start3A_51 = arith.constant 0 : i32
    %dma_start3A_52 = tpu.memref_slice %arg11[%dma_start3A_50, %dma_start3A_51] : memref<2x1000xi32, #tpu.memory_space<vmem>> -> memref<1x1000xi32, #tpu.memory_space<vmem>>
    %dma_start3A_53 = tpu.memref_squeeze %dma_start3A_52 : memref<1x1000xi32, #tpu.memory_space<vmem>> -> memref<1000xi32, #tpu.memory_space<vmem>>
    %dma_start3A_54 = tpu.memref_slice %arg5[%dma_start3A_49, %add3A_36] : memref<2x1600000xi32, #tpu.memory_space<hbm>> -> memref<1x1000xi32, #tpu.memory_space<hbm>>
    %dma_start3A_55 = tpu.memref_squeeze %dma_start3A_54 : memref<1x1000xi32, #tpu.memory_space<hbm>> -> memref<1000xi32, #tpu.memory_space<hbm>>
    %dma_start3A_56 = arith.constant 0 : i32
    %dma_start3A_57 = tpu.memref_slice %arg11[%dma_start3A_50, %dma_start3A_56] : memref<2x1000xi32, #tpu.memory_space<vmem>> -> memref<1x1000xi32, #tpu.memory_space<vmem>>
    %dma_start3A_58 = tpu.memref_squeeze %dma_start3A_57 : memref<1x1000xi32, #tpu.memory_space<vmem>> -> memref<1000xi32, #tpu.memory_space<vmem>>
    %dma_start3A_59 = tpu.memref_slice %arg5[%dma_start3A_49, %add3A_36] : memref<2x1600000xi32, #tpu.memory_space<hbm>> -> memref<1x1000xi32, #tpu.memory_space<hbm>>
    %dma_start3A_60 = tpu.memref_squeeze %dma_start3A_59 : memref<1x1000xi32, #tpu.memory_space<hbm>> -> memref<1000xi32, #tpu.memory_space<hbm>>
    tpu.enqueue_dma source(%dma_start3A_60 : memref<1000xi32, #tpu.memory_space<hbm>>) target(%dma_start3A_58 : memref<1000xi32, #tpu.memory_space<vmem>>) target_semaphore(%arg17 : memref<!tpu.dma_semaphore, #tpu.memory_space<semaphore_mem>>)
    %dma_start3A_61 = arith.constant 1 : i32
    %dma_start3A_62 = arith.constant 0 : i32
    %dma_start3A_63 = tpu.memref_slice %arg12[%dma_start3A_61, %dma_start3A_62] : memref<2x1000xi32, #tpu.memory_space<vmem>> -> memref<1x1000xi32, #tpu.memory_space<vmem>>
    %dma_start3A_64 = tpu.memref_squeeze %dma_start3A_63 : memref<1x1000xi32, #tpu.memory_space<vmem>> -> memref<1000xi32, #tpu.memory_space<vmem>>
    %dma_start3A_65 = tpu.memref_slice %arg6[%add3A_36] : memref<1600000xi32, #tpu.memory_space<hbm>> -> memref<1000xi32, #tpu.memory_space<hbm>>
    %dma_start3A_66 = arith.constant 0 : i32
    %dma_start3A_67 = tpu.memref_slice %arg12[%dma_start3A_61, %dma_start3A_66] : memref<2x1000xi32, #tpu.memory_space<vmem>> -> memref<1x1000xi32, #tpu.memory_space<vmem>>
    %dma_start3A_68 = tpu.memref_squeeze %dma_start3A_67 : memref<1x1000xi32, #tpu.memory_space<vmem>> -> memref<1000xi32, #tpu.memory_space<vmem>>
    %dma_start3A_69 = tpu.memref_slice %arg6[%add3A_36] : memref<1600000xi32, #tpu.memory_space<hbm>> -> memref<1000xi32, #tpu.memory_space<hbm>>
    tpu.enqueue_dma source(%dma_start3A_69 : memref<1000xi32, #tpu.memory_space<hbm>>) target(%dma_start3A_68 : memref<1000xi32, #tpu.memory_space<vmem>>) target_semaphore(%arg17 : memref<!tpu.dma_semaphore, #tpu.memory_space<semaphore_mem>>)
    %scan3A = arith.constant 0 : i32
    %scan3A_70 = arith.constant 0 : i32
    %scan3A_71 = arith.constant 25 : i32
    %scan3A_72 = arith.addi %scan3A_70, %scan3A_71 : i32
    %scan3A_73 = arith.constant 1 : i32
    scf.for %scan3A_251 = %scan3A_70 to %scan3A_72 step %scan3A_73  : i32 {
      %mul3A_252 = arith.constant 2 : i32
      %mul3A_253 = arith.muli %mul3A_252, %scan3A_251 : i32
      %add3A_254 = arith.constant 0 : i32
      %add3A_255 = arith.addi %mul3A_253, %add3A_254 : i32
      %mul3A_256 = arith.constant 1000 : i32
      %mul3A_257 = arith.muli %add3A_255, %mul3A_256 : i32
      %add3A_258 = arith.addi %mul3A_2, %mul3A_257 : i32
      %dma_wait3A_259 = arith.constant 0 : i32
      %dma_wait3A_260 = arith.constant 0 : i32
      %dma_wait3A_261 = tpu.memref_slice %arg12[%dma_wait3A_259, %dma_wait3A_260] : memref<2x1000xi32, #tpu.memory_space<vmem>> -> memref<1x1000xi32, #tpu.memory_space<vmem>>
      %dma_wait3A_262 = tpu.memref_squeeze %dma_wait3A_261 : memref<1x1000xi32, #tpu.memory_space<vmem>> -> memref<1000xi32, #tpu.memory_space<vmem>>
      %dma_wait3A_263 = arith.constant 0 : i32
      %dma_wait3A_264 = tpu.memref_slice %arg6[%dma_wait3A_263] : memref<1600000xi32, #tpu.memory_space<hbm>> -> memref<1000xi32, #tpu.memory_space<hbm>>
      %dma_wait3A_265 = arith.constant 0 : i32
      %dma_wait3A_266 = tpu.memref_slice %arg12[%dma_wait3A_259, %dma_wait3A_265] : memref<2x1000xi32, #tpu.memory_space<vmem>> -> memref<1x1000xi32, #tpu.memory_space<vmem>>
      %dma_wait3A_267 = tpu.memref_squeeze %dma_wait3A_266 : memref<1x1000xi32, #tpu.memory_space<vmem>> -> memref<1000xi32, #tpu.memory_space<vmem>>
      %dma_wait3A_268 = arith.constant 0 : i32
      %dma_wait3A_269 = tpu.memref_slice %arg6[%dma_wait3A_268] : memref<1600000xi32, #tpu.memory_space<hbm>> -> memref<1000xi32, #tpu.memory_space<hbm>>
      tpu.wait_dma2 semaphore(%arg16 : memref<!tpu.dma_semaphore, #tpu.memory_space<semaphore_mem>>) src(%dma_wait3A_269 : memref<1000xi32, #tpu.memory_space<hbm>>) dst(%dma_wait3A_267 : memref<1000xi32, #tpu.memory_space<vmem>>)
      %dma_wait3A_270 = arith.constant 0 : i32
      %dma_wait3A_271 = arith.constant 0 : i32
      %dma_wait3A_272 = tpu.memref_slice %arg12[%dma_wait3A_270, %dma_wait3A_271] : memref<2x1000xi32, #tpu.memory_space<vmem>> -> memref<1x1000xi32, #tpu.memory_space<vmem>>
      %dma_wait3A_273 = tpu.memref_squeeze %dma_wait3A_272 : memref<1x1000xi32, #tpu.memory_space<vmem>> -> memref<1000xi32, #tpu.memory_space<vmem>>
      %dma_wait3A_274 = arith.constant 0 : i32
      %dma_wait3A_275 = tpu.memref_slice %arg6[%dma_wait3A_274] : memref<1600000xi32, #tpu.memory_space<hbm>> -> memref<1000xi32, #tpu.memory_space<hbm>>
      %dma_wait3A_276 = arith.constant 0 : i32
      %dma_wait3A_277 = tpu.memref_slice %arg12[%dma_wait3A_270, %dma_wait3A_276] : memref<2x1000xi32, #tpu.memory_space<vmem>> -> memref<1x1000xi32, #tpu.memory_space<vmem>>
      %dma_wait3A_278 = tpu.memref_squeeze %dma_wait3A_277 : memref<1x1000xi32, #tpu.memory_space<vmem>> -> memref<1000xi32, #tpu.memory_space<vmem>>
      %dma_wait3A_279 = arith.constant 0 : i32
      %dma_wait3A_280 = tpu.memref_slice %arg6[%dma_wait3A_279] : memref<1600000xi32, #tpu.memory_space<hbm>> -> memref<1000xi32, #tpu.memory_space<hbm>>
      tpu.wait_dma2 semaphore(%arg16 : memref<!tpu.dma_semaphore, #tpu.memory_space<semaphore_mem>>) src(%dma_wait3A_280 : memref<1000xi32, #tpu.memory_space<hbm>>) dst(%dma_wait3A_278 : memref<1000xi32, #tpu.memory_space<vmem>>)
      %dma_wait3A_281 = arith.constant 0 : i32
      %dma_wait3A_282 = arith.constant 0 : i32
      %dma_wait3A_283 = tpu.memref_slice %arg12[%dma_wait3A_281, %dma_wait3A_282] : memref<2x1000xi32, #tpu.memory_space<vmem>> -> memref<1x1000xi32, #tpu.memory_space<vmem>>
      %dma_wait3A_284 = tpu.memref_squeeze %dma_wait3A_283 : memref<1x1000xi32, #tpu.memory_space<vmem>> -> memref<1000xi32, #tpu.memory_space<vmem>>
      %dma_wait3A_285 = arith.constant 0 : i32
      %dma_wait3A_286 = tpu.memref_slice %arg6[%dma_wait3A_285] : memref<1600000xi32, #tpu.memory_space<hbm>> -> memref<1000xi32, #tpu.memory_space<hbm>>
      %dma_wait3A_287 = arith.constant 0 : i32
      %dma_wait3A_288 = tpu.memref_slice %arg12[%dma_wait3A_281, %dma_wait3A_287] : memref<2x1000xi32, #tpu.memory_space<vmem>> -> memref<1x1000xi32, #tpu.memory_space<vmem>>
      %dma_wait3A_289 = tpu.memref_squeeze %dma_wait3A_288 : memref<1x1000xi32, #tpu.memory_space<vmem>> -> memref<1000xi32, #tpu.memory_space<vmem>>
      %dma_wait3A_290 = arith.constant 0 : i32
      %dma_wait3A_291 = tpu.memref_slice %arg6[%dma_wait3A_290] : memref<1600000xi32, #tpu.memory_space<hbm>> -> memref<1000xi32, #tpu.memory_space<hbm>>
      tpu.wait_dma2 semaphore(%arg16 : memref<!tpu.dma_semaphore, #tpu.memory_space<semaphore_mem>>) src(%dma_wait3A_291 : memref<1000xi32, #tpu.memory_space<hbm>>) dst(%dma_wait3A_289 : memref<1000xi32, #tpu.memory_space<vmem>>)
      %ge3A = arith.constant 2 : i32
      %ge3A_292 = arith.cmpi sge, %add3A_255, %ge3A : i32
      %convert_element_type3A = arith.extui %ge3A_292 : i1 to i32
      %cond3A = arith.constant 0 : i32
      %cond3A_293 = arith.cmpi ne, %convert_element_type3A, %cond3A : i32
      scf.if %cond3A_293 {
        %dma_wait3A_421 = arith.constant 0 : i32
        %dma_wait3A_422 = arith.constant 0 : i32
        %dma_wait3A_423 = arith.constant 0 : i32
        %dma_wait3A_424 = tpu.memref_slice %arg13[%dma_wait3A_421, %dma_wait3A_422, %dma_wait3A_423] : memref<2x1000x8xf32, #tpu.memory_space<vmem>> -> memref<1x1000x8xf32, #tpu.memory_space<vmem>>
        %dma_wait3A_425 = tpu.memref_squeeze %dma_wait3A_424 : memref<1x1000x8xf32, #tpu.memory_space<vmem>> -> memref<1000x8xf32, #tpu.memory_space<vmem>>
        %dma_wait3A_426 = arith.constant 0 : i32
        %dma_wait3A_427 = arith.constant 0 : i32
        %dma_wait3A_428 = tpu.memref_slice %arg7[%dma_wait3A_426, %dma_wait3A_427] : memref<1600000x8xf32, #tpu.memory_space<hbm>> -> memref<1000x8xf32, #tpu.memory_space<hbm>>
        %dma_wait3A_429 = arith.constant 0 : i32
        %dma_wait3A_430 = arith.constant 0 : i32
        %dma_wait3A_431 = tpu.memref_slice %arg7[%dma_wait3A_429, %dma_wait3A_430] : memref<1600000x8xf32, #tpu.memory_space<hbm>> -> memref<1000x8xf32, #tpu.memory_space<hbm>>
        %dma_wait3A_432 = arith.constant 0 : i32
        %dma_wait3A_433 = arith.constant 0 : i32
        %dma_wait3A_434 = tpu.memref_slice %arg13[%dma_wait3A_421, %dma_wait3A_432, %dma_wait3A_433] : memref<2x1000x8xf32, #tpu.memory_space<vmem>> -> memref<1x1000x8xf32, #tpu.memory_space<vmem>>
        %dma_wait3A_435 = tpu.memref_squeeze %dma_wait3A_434 : memref<1x1000x8xf32, #tpu.memory_space<vmem>> -> memref<1000x8xf32, #tpu.memory_space<vmem>>
        tpu.wait_dma2 semaphore(%arg20 : memref<!tpu.dma_semaphore, #tpu.memory_space<semaphore_mem>>) src(%dma_wait3A_435 : memref<1000x8xf32, #tpu.memory_space<vmem>>) dst(%dma_wait3A_431 : memref<1000x8xf32, #tpu.memory_space<hbm>>)
        %dma_wait3A_436 = arith.constant 0 : i32
        %dma_wait3A_437 = arith.constant 0 : i32
        %dma_wait3A_438 = arith.constant 0 : i32
        %dma_wait3A_439 = tpu.memref_slice %arg13[%dma_wait3A_436, %dma_wait3A_437, %dma_wait3A_438] : memref<2x1000x8xf32, #tpu.memory_space<vmem>> -> memref<1x1000x8xf32, #tpu.memory_space<vmem>>
        %dma_wait3A_440 = tpu.memref_squeeze %dma_wait3A_439 : memref<1x1000x8xf32, #tpu.memory_space<vmem>> -> memref<1000x8xf32, #tpu.memory_space<vmem>>
        %dma_wait3A_441 = arith.constant 0 : i32
        %dma_wait3A_442 = arith.constant 0 : i32
        %dma_wait3A_443 = tpu.memref_slice %arg7[%dma_wait3A_441, %dma_wait3A_442] : memref<1600000x8xf32, #tpu.memory_space<hbm>> -> memref<1000x8xf32, #tpu.memory_space<hbm>>
        %dma_wait3A_444 = arith.constant 0 : i32
        %dma_wait3A_445 = arith.constant 0 : i32
        %dma_wait3A_446 = tpu.memref_slice %arg7[%dma_wait3A_444, %dma_wait3A_445] : memref<1600000x8xf32, #tpu.memory_space<hbm>> -> memref<1000x8xf32, #tpu.memory_space<hbm>>
        %dma_wait3A_447 = arith.constant 0 : i32
        %dma_wait3A_448 = arith.constant 0 : i32
        %dma_wait3A_449 = tpu.memref_slice %arg13[%dma_wait3A_436, %dma_wait3A_447, %dma_wait3A_448] : memref<2x1000x8xf32, #tpu.memory_space<vmem>> -> memref<1x1000x8xf32, #tpu.memory_space<vmem>>
        %dma_wait3A_450 = tpu.memref_squeeze %dma_wait3A_449 : memref<1x1000x8xf32, #tpu.memory_space<vmem>> -> memref<1000x8xf32, #tpu.memory_space<vmem>>
        tpu.wait_dma2 semaphore(%arg20 : memref<!tpu.dma_semaphore, #tpu.memory_space<semaphore_mem>>) src(%dma_wait3A_450 : memref<1000x8xf32, #tpu.memory_space<vmem>>) dst(%dma_wait3A_446 : memref<1000x8xf32, #tpu.memory_space<hbm>>)
        %dma_wait3A_451 = arith.constant 0 : i32
        %dma_wait3A_452 = arith.constant 0 : i32
        %dma_wait3A_453 = arith.constant 0 : i32
        %dma_wait3A_454 = tpu.memref_slice %arg13[%dma_wait3A_451, %dma_wait3A_452, %dma_wait3A_453] : memref<2x1000x8xf32, #tpu.memory_space<vmem>> -> memref<1x1000x8xf32, #tpu.memory_space<vmem>>
        %dma_wait3A_455 = tpu.memref_squeeze %dma_wait3A_454 : memref<1x1000x8xf32, #tpu.memory_space<vmem>> -> memref<1000x8xf32, #tpu.memory_space<vmem>>
        %dma_wait3A_456 = arith.constant 0 : i32
        %dma_wait3A_457 = arith.constant 0 : i32
        %dma_wait3A_458 = tpu.memref_slice %arg7[%dma_wait3A_456, %dma_wait3A_457] : memref<1600000x8xf32, #tpu.memory_space<hbm>> -> memref<1000x8xf32, #tpu.memory_space<hbm>>
        %dma_wait3A_459 = arith.constant 0 : i32
        %dma_wait3A_460 = arith.constant 0 : i32
        %dma_wait3A_461 = tpu.memref_slice %arg7[%dma_wait3A_459, %dma_wait3A_460] : memref<1600000x8xf32, #tpu.memory_space<hbm>> -> memref<1000x8xf32, #tpu.memory_space<hbm>>
        %dma_wait3A_462 = arith.constant 0 : i32
        %dma_wait3A_463 = arith.constant 0 : i32
        %dma_wait3A_464 = tpu.memref_slice %arg13[%dma_wait3A_451, %dma_wait3A_462, %dma_wait3A_463] : memref<2x1000x8xf32, #tpu.memory_space<vmem>> -> memref<1x1000x8xf32, #tpu.memory_space<vmem>>
        %dma_wait3A_465 = tpu.memref_squeeze %dma_wait3A_464 : memref<1x1000x8xf32, #tpu.memory_space<vmem>> -> memref<1000x8xf32, #tpu.memory_space<vmem>>
        tpu.wait_dma2 semaphore(%arg20 : memref<!tpu.dma_semaphore, #tpu.memory_space<semaphore_mem>>) src(%dma_wait3A_465 : memref<1000x8xf32, #tpu.memory_space<vmem>>) dst(%dma_wait3A_461 : memref<1000x8xf32, #tpu.memory_space<hbm>>)
      } else {
      }
      %dma_start3A_294 = arith.constant 0 : i32
      %dma_start3A_295 = arith.constant 0 : i32
      %dma_start3A_296 = arith.constant 0 : i32
      %dma_start3A_297 = arith.constant 0 : i32
      %dma_start3A_298 = tpu.memref_slice %arg13[%dma_start3A_295, %dma_start3A_296, %dma_start3A_297] : memref<2x1000x8xf32, #tpu.memory_space<vmem>> -> memref<1x1000x8xf32, #tpu.memory_space<vmem>>
      %dma_start3A_299 = tpu.memref_squeeze %dma_start3A_298 : memref<1x1000x8xf32, #tpu.memory_space<vmem>> -> memref<1000x8xf32, #tpu.memory_space<vmem>>
      %dma_start3A_300 = arith.constant 0 : i32
      %dma_start3A_301 = tpu.memref_slice %arg10[%dma_start3A_294, %dma_start3A_300] : memref<2x1000xi32, #tpu.memory_space<vmem>> -> memref<1x1000xi32, #tpu.memory_space<vmem>>
      %dma_start3A_302 = tpu.memref_squeeze %dma_start3A_301 : memref<1x1000xi32, #tpu.memory_space<vmem>> -> memref<1000xi32, #tpu.memory_space<vmem>>
      %dma_start3A_303 = arith.constant 0 : i32
      %dma_start3A_304 = arith.constant 0 : i32
      %dma_start3A_305 = tpu.memref_slice %arg2[%dma_start3A_303, %dma_start3A_304] : memref<102400x8xf32, #tpu.memory_space<hbm>> -> memref<102400x8xf32, #tpu.memory_space<hbm>>
      tpu.enqueue_indirect_dma source(%dma_start3A_305 : memref<102400x8xf32, #tpu.memory_space<hbm>>) target(%dma_start3A_299 : memref<1000x8xf32, #tpu.memory_space<vmem>>) offsets(%dma_start3A_302 : memref<1000xi32, #tpu.memory_space<vmem>>) semaphore(%arg18 : memref<!tpu.dma_semaphore, #tpu.memory_space<semaphore_mem>>)
      %dma_start3A_306 = arith.constant 0 : i32
      %dma_start3A_307 = arith.constant 0 : i32
      %dma_start3A_308 = arith.constant 0 : i32
      %dma_start3A_309 = arith.constant 0 : i32
      %dma_start3A_310 = tpu.memref_slice %arg14[%dma_start3A_307, %dma_start3A_308, %dma_start3A_309] : memref<2x1000x8xf32, #tpu.memory_space<vmem>> -> memref<1x1000x8xf32, #tpu.memory_space<vmem>>
      %dma_start3A_311 = tpu.memref_squeeze %dma_start3A_310 : memref<1x1000x8xf32, #tpu.memory_space<vmem>> -> memref<1000x8xf32, #tpu.memory_space<vmem>>
      %dma_start3A_312 = arith.constant 0 : i32
      %dma_start3A_313 = tpu.memref_slice %arg11[%dma_start3A_306, %dma_start3A_312] : memref<2x1000xi32, #tpu.memory_space<vmem>> -> memref<1x1000xi32, #tpu.memory_space<vmem>>
      %dma_start3A_314 = tpu.memref_squeeze %dma_start3A_313 : memref<1x1000xi32, #tpu.memory_space<vmem>> -> memref<1000xi32, #tpu.memory_space<vmem>>
      %dma_start3A_315 = arith.constant 0 : i32
      %dma_start3A_316 = arith.constant 0 : i32
      %dma_start3A_317 = tpu.memref_slice %arg3[%dma_start3A_315, %dma_start3A_316] : memref<102400x8xf32, #tpu.memory_space<hbm>> -> memref<102400x8xf32, #tpu.memory_space<hbm>>
      tpu.enqueue_indirect_dma source(%dma_start3A_317 : memref<102400x8xf32, #tpu.memory_space<hbm>>) target(%dma_start3A_311 : memref<1000x8xf32, #tpu.memory_space<vmem>>) offsets(%dma_start3A_314 : memref<1000xi32, #tpu.memory_space<vmem>>) semaphore(%arg18 : memref<!tpu.dma_semaphore, #tpu.memory_space<semaphore_mem>>)
      %dma_start3A_318 = arith.constant 0 : i32
      %dma_start3A_319 = arith.constant 0 : i32
      %dma_start3A_320 = arith.constant 0 : i32
      %dma_start3A_321 = arith.constant 0 : i32
      %dma_start3A_322 = tpu.memref_slice %arg15[%dma_start3A_319, %dma_start3A_320, %dma_start3A_321] : memref<2x1000x8xf32, #tpu.memory_space<vmem>> -> memref<1x1000x8xf32, #tpu.memory_space<vmem>>
      %dma_start3A_323 = tpu.memref_squeeze %dma_start3A_322 : memref<1x1000x8xf32, #tpu.memory_space<vmem>> -> memref<1000x8xf32, #tpu.memory_space<vmem>>
      %dma_start3A_324 = arith.constant 0 : i32
      %dma_start3A_325 = tpu.memref_slice %arg12[%dma_start3A_318, %dma_start3A_324] : memref<2x1000xi32, #tpu.memory_space<vmem>> -> memref<1x1000xi32, #tpu.memory_space<vmem>>
      %dma_start3A_326 = tpu.memref_squeeze %dma_start3A_325 : memref<1x1000xi32, #tpu.memory_space<vmem>> -> memref<1000xi32, #tpu.memory_space<vmem>>
      %dma_start3A_327 = arith.constant 0 : i32
      %dma_start3A_328 = arith.constant 0 : i32
      %dma_start3A_329 = tpu.memref_slice %arg4[%dma_start3A_327, %dma_start3A_328] : memref<1024x8xf32, #tpu.memory_space<hbm>> -> memref<1024x8xf32, #tpu.memory_space<hbm>>
      tpu.enqueue_indirect_dma source(%dma_start3A_329 : memref<1024x8xf32, #tpu.memory_space<hbm>>) target(%dma_start3A_323 : memref<1000x8xf32, #tpu.memory_space<vmem>>) offsets(%dma_start3A_326 : memref<1000xi32, #tpu.memory_space<vmem>>) semaphore(%arg18 : memref<!tpu.dma_semaphore, #tpu.memory_space<semaphore_mem>>)
      %ge3A_330 = arith.constant 1 : i32
      %ge3A_331 = arith.cmpi sge, %add3A_255, %ge3A_330 : i32
      %convert_element_type3A_332 = arith.extui %ge3A_331 : i1 to i32
      %cond3A_333 = arith.constant 0 : i32
      %cond3A_334 = arith.cmpi ne, %convert_element_type3A_332, %cond3A_333 : i32
      scf.if %cond3A_334 {
        %dma_wait3A_421 = arith.constant 1 : i32
        %dma_wait3A_422 = arith.constant 0 : i32
        %dma_wait3A_423 = arith.constant 0 : i32
        %dma_wait3A_424 = tpu.memref_slice %arg13[%dma_wait3A_421, %dma_wait3A_422, %dma_wait3A_423] : memref<2x1000x8xf32, #tpu.memory_space<vmem>> -> memref<1x1000x8xf32, #tpu.memory_space<vmem>>
        %dma_wait3A_425 = tpu.memref_squeeze %dma_wait3A_424 : memref<1x1000x8xf32, #tpu.memory_space<vmem>> -> memref<1000x8xf32, #tpu.memory_space<vmem>>
        %dma_wait3A_426 = arith.constant 0 : i32
        %dma_wait3A_427 = arith.constant 0 : i32
        %dma_wait3A_428 = tpu.memref_slice %arg2[%dma_wait3A_426, %dma_wait3A_427] : memref<102400x8xf32, #tpu.memory_space<hbm>> -> memref<1000x8xf32, #tpu.memory_space<hbm>>
        %dma_wait3A_429 = arith.constant 0 : i32
        %dma_wait3A_430 = arith.constant 0 : i32
        %dma_wait3A_431 = tpu.memref_slice %arg13[%dma_wait3A_421, %dma_wait3A_429, %dma_wait3A_430] : memref<2x1000x8xf32, #tpu.memory_space<vmem>> -> memref<1x1000x8xf32, #tpu.memory_space<vmem>>
        %dma_wait3A_432 = tpu.memref_squeeze %dma_wait3A_431 : memref<1x1000x8xf32, #tpu.memory_space<vmem>> -> memref<1000x8xf32, #tpu.memory_space<vmem>>
        %dma_wait3A_433 = arith.constant 0 : i32
        %dma_wait3A_434 = arith.constant 0 : i32
        %dma_wait3A_435 = tpu.memref_slice %arg2[%dma_wait3A_433, %dma_wait3A_434] : memref<102400x8xf32, #tpu.memory_space<hbm>> -> memref<1000x8xf32, #tpu.memory_space<hbm>>
        tpu.wait_dma2 semaphore(%arg19 : memref<!tpu.dma_semaphore, #tpu.memory_space<semaphore_mem>>) src(%dma_wait3A_435 : memref<1000x8xf32, #tpu.memory_space<hbm>>) dst(%dma_wait3A_432 : memref<1000x8xf32, #tpu.memory_space<vmem>>)
        %dma_wait3A_436 = arith.constant 1 : i32
        %dma_wait3A_437 = arith.constant 0 : i32
        %dma_wait3A_438 = arith.constant 0 : i32
        %dma_wait3A_439 = tpu.memref_slice %arg13[%dma_wait3A_436, %dma_wait3A_437, %dma_wait3A_438] : memref<2x1000x8xf32, #tpu.memory_space<vmem>> -> memref<1x1000x8xf32, #tpu.memory_space<vmem>>
        %dma_wait3A_440 = tpu.memref_squeeze %dma_wait3A_439 : memref<1x1000x8xf32, #tpu.memory_space<vmem>> -> memref<1000x8xf32, #tpu.memory_space<vmem>>
        %dma_wait3A_441 = arith.constant 0 : i32
        %dma_wait3A_442 = arith.constant 0 : i32
        %dma_wait3A_443 = tpu.memref_slice %arg2[%dma_wait3A_441, %dma_wait3A_442] : memref<102400x8xf32, #tpu.memory_space<hbm>> -> memref<1000x8xf32, #tpu.memory_space<hbm>>
        %dma_wait3A_444 = arith.constant 0 : i32
        %dma_wait3A_445 = arith.constant 0 : i32
        %dma_wait3A_446 = tpu.memref_slice %arg13[%dma_wait3A_436, %dma_wait3A_444, %dma_wait3A_445] : memref<2x1000x8xf32, #tpu.memory_space<vmem>> -> memref<1x1000x8xf32, #tpu.memory_space<vmem>>
        %dma_wait3A_447 = tpu.memref_squeeze %dma_wait3A_446 : memref<1x1000x8xf32, #tpu.memory_space<vmem>> -> memref<1000x8xf32, #tpu.memory_space<vmem>>
        %dma_wait3A_448 = arith.constant 0 : i32
        %dma_wait3A_449 = arith.constant 0 : i32
        %dma_wait3A_450 = tpu.memref_slice %arg2[%dma_wait3A_448, %dma_wait3A_449] : memref<102400x8xf32, #tpu.memory_space<hbm>> -> memref<1000x8xf32, #tpu.memory_space<hbm>>
        tpu.wait_dma2 semaphore(%arg19 : memref<!tpu.dma_semaphore, #tpu.memory_space<semaphore_mem>>) src(%dma_wait3A_450 : memref<1000x8xf32, #tpu.memory_space<hbm>>) dst(%dma_wait3A_447 : memref<1000x8xf32, #tpu.memory_space<vmem>>)
        %dma_wait3A_451 = arith.constant 1 : i32
        %dma_wait3A_452 = arith.constant 0 : i32
        %dma_wait3A_453 = arith.constant 0 : i32
        %dma_wait3A_454 = tpu.memref_slice %arg13[%dma_wait3A_451, %dma_wait3A_452, %dma_wait3A_453] : memref<2x1000x8xf32, #tpu.memory_space<vmem>> -> memref<1x1000x8xf32, #tpu.memory_space<vmem>>
        %dma_wait3A_455 = tpu.memref_squeeze %dma_wait3A_454 : memref<1x1000x8xf32, #tpu.memory_space<vmem>> -> memref<1000x8xf32, #tpu.memory_space<vmem>>
        %dma_wait3A_456 = arith.constant 0 : i32
        %dma_wait3A_457 = arith.constant 0 : i32
        %dma_wait3A_458 = tpu.memref_slice %arg2[%dma_wait3A_456, %dma_wait3A_457] : memref<102400x8xf32, #tpu.memory_space<hbm>> -> memref<1000x8xf32, #tpu.memory_space<hbm>>
        %dma_wait3A_459 = arith.constant 0 : i32
        %dma_wait3A_460 = arith.constant 0 : i32
        %dma_wait3A_461 = tpu.memref_slice %arg13[%dma_wait3A_451, %dma_wait3A_459, %dma_wait3A_460] : memref<2x1000x8xf32, #tpu.memory_space<vmem>> -> memref<1x1000x8xf32, #tpu.memory_space<vmem>>
        %dma_wait3A_462 = tpu.memref_squeeze %dma_wait3A_461 : memref<1x1000x8xf32, #tpu.memory_space<vmem>> -> memref<1000x8xf32, #tpu.memory_space<vmem>>
        %dma_wait3A_463 = arith.constant 0 : i32
        %dma_wait3A_464 = arith.constant 0 : i32
        %dma_wait3A_465 = tpu.memref_slice %arg2[%dma_wait3A_463, %dma_wait3A_464] : memref<102400x8xf32, #tpu.memory_space<hbm>> -> memref<1000x8xf32, #tpu.memory_space<hbm>>
        tpu.wait_dma2 semaphore(%arg19 : memref<!tpu.dma_semaphore, #tpu.memory_space<semaphore_mem>>) src(%dma_wait3A_465 : memref<1000x8xf32, #tpu.memory_space<hbm>>) dst(%dma_wait3A_462 : memref<1000x8xf32, #tpu.memory_space<vmem>>)
        %sub3A_466 = arith.constant 1000 : i32
        %sub3A_467 = arith.subi %add3A_258, %sub3A_466 : i32
        %dma_start3A_468 = arith.constant 1 : i32
        %dma_start3A_469 = arith.constant 0 : i32
        %dma_start3A_470 = arith.constant 0 : i32
        %dma_start3A_471 = tpu.memref_slice %arg13[%dma_start3A_468, %dma_start3A_469, %dma_start3A_470] : memref<2x1000x8xf32, #tpu.memory_space<vmem>> -> memref<1x1000x8xf32, #tpu.memory_space<vmem>>
        %dma_start3A_472 = tpu.memref_squeeze %dma_start3A_471 : memref<1x1000x8xf32, #tpu.memory_space<vmem>> -> memref<1000x8xf32, #tpu.memory_space<vmem>>
        %dma_start3A_473 = arith.constant 0 : i32
        %dma_start3A_474 = tpu.memref_slice %arg7[%sub3A_467, %dma_start3A_473] : memref<1600000x8xf32, #tpu.memory_space<hbm>> -> memref<1000x8xf32, #tpu.memory_space<hbm>>
        %dma_start3A_475 = arith.constant 0 : i32
        %dma_start3A_476 = tpu.memref_slice %arg7[%sub3A_467, %dma_start3A_475] : memref<1600000x8xf32, #tpu.memory_space<hbm>> -> memref<1000x8xf32, #tpu.memory_space<hbm>>
        %dma_start3A_477 = arith.constant 0 : i32
        %dma_start3A_478 = arith.constant 0 : i32
        %dma_start3A_479 = tpu.memref_slice %arg13[%dma_start3A_468, %dma_start3A_477, %dma_start3A_478] : memref<2x1000x8xf32, #tpu.memory_space<vmem>> -> memref<1x1000x8xf32, #tpu.memory_space<vmem>>
        %dma_start3A_480 = tpu.memref_squeeze %dma_start3A_479 : memref<1x1000x8xf32, #tpu.memory_space<vmem>> -> memref<1000x8xf32, #tpu.memory_space<vmem>>
        tpu.enqueue_dma source(%dma_start3A_480 : memref<1000x8xf32, #tpu.memory_space<vmem>>) target(%dma_start3A_476 : memref<1000x8xf32, #tpu.memory_space<hbm>>) target_semaphore(%arg21 : memref<!tpu.dma_semaphore, #tpu.memory_space<semaphore_mem>>)
        %dma_start3A_481 = arith.constant 1 : i32
        %dma_start3A_482 = arith.constant 0 : i32
        %dma_start3A_483 = arith.constant 0 : i32
        %dma_start3A_484 = tpu.memref_slice %arg14[%dma_start3A_481, %dma_start3A_482, %dma_start3A_483] : memref<2x1000x8xf32, #tpu.memory_space<vmem>> -> memref<1x1000x8xf32, #tpu.memory_space<vmem>>
        %dma_start3A_485 = tpu.memref_squeeze %dma_start3A_484 : memref<1x1000x8xf32, #tpu.memory_space<vmem>> -> memref<1000x8xf32, #tpu.memory_space<vmem>>
        %dma_start3A_486 = arith.constant 0 : i32
        %dma_start3A_487 = tpu.memref_slice %arg8[%sub3A_467, %dma_start3A_486] : memref<1600000x8xf32, #tpu.memory_space<hbm>> -> memref<1000x8xf32, #tpu.memory_space<hbm>>
        %dma_start3A_488 = arith.constant 0 : i32
        %dma_start3A_489 = tpu.memref_slice %arg8[%sub3A_467, %dma_start3A_488] : memref<1600000x8xf32, #tpu.memory_space<hbm>> -> memref<1000x8xf32, #tpu.memory_space<hbm>>
        %dma_start3A_490 = arith.constant 0 : i32
        %dma_start3A_491 = arith.constant 0 : i32
        %dma_start3A_492 = tpu.memref_slice %arg14[%dma_start3A_481, %dma_start3A_490, %dma_start3A_491] : memref<2x1000x8xf32, #tpu.memory_space<vmem>> -> memref<1x1000x8xf32, #tpu.memory_space<vmem>>
        %dma_start3A_493 = tpu.memref_squeeze %dma_start3A_492 : memref<1x1000x8xf32, #tpu.memory_space<vmem>> -> memref<1000x8xf32, #tpu.memory_space<vmem>>
        tpu.enqueue_dma source(%dma_start3A_493 : memref<1000x8xf32, #tpu.memory_space<vmem>>) target(%dma_start3A_489 : memref<1000x8xf32, #tpu.memory_space<hbm>>) target_semaphore(%arg21 : memref<!tpu.dma_semaphore, #tpu.memory_space<semaphore_mem>>)
        %dma_start3A_494 = arith.constant 1 : i32
        %dma_start3A_495 = arith.constant 0 : i32
        %dma_start3A_496 = arith.constant 0 : i32
        %dma_start3A_497 = tpu.memref_slice %arg15[%dma_start3A_494, %dma_start3A_495, %dma_start3A_496] : memref<2x1000x8xf32, #tpu.memory_space<vmem>> -> memref<1x1000x8xf32, #tpu.memory_space<vmem>>
        %dma_start3A_498 = tpu.memref_squeeze %dma_start3A_497 : memref<1x1000x8xf32, #tpu.memory_space<vmem>> -> memref<1000x8xf32, #tpu.memory_space<vmem>>
        %dma_start3A_499 = arith.constant 0 : i32
        %dma_start3A_500 = tpu.memref_slice %arg9[%sub3A_467, %dma_start3A_499] : memref<1600000x8xf32, #tpu.memory_space<hbm>> -> memref<1000x8xf32, #tpu.memory_space<hbm>>
        %dma_start3A_501 = arith.constant 0 : i32
        %dma_start3A_502 = tpu.memref_slice %arg9[%sub3A_467, %dma_start3A_501] : memref<1600000x8xf32, #tpu.memory_space<hbm>> -> memref<1000x8xf32, #tpu.memory_space<hbm>>
        %dma_start3A_503 = arith.constant 0 : i32
        %dma_start3A_504 = arith.constant 0 : i32
        %dma_start3A_505 = tpu.memref_slice %arg15[%dma_start3A_494, %dma_start3A_503, %dma_start3A_504] : memref<2x1000x8xf32, #tpu.memory_space<vmem>> -> memref<1x1000x8xf32, #tpu.memory_space<vmem>>
        %dma_start3A_506 = tpu.memref_squeeze %dma_start3A_505 : memref<1x1000x8xf32, #tpu.memory_space<vmem>> -> memref<1000x8xf32, #tpu.memory_space<vmem>>
        tpu.enqueue_dma source(%dma_start3A_506 : memref<1000x8xf32, #tpu.memory_space<vmem>>) target(%dma_start3A_502 : memref<1000x8xf32, #tpu.memory_space<hbm>>) target_semaphore(%arg21 : memref<!tpu.dma_semaphore, #tpu.memory_space<semaphore_mem>>)
        %add3A_507 = arith.constant 1 : i32
        %add3A_508 = arith.addi %add3A_255, %add3A_507 : i32
        %lt3A = arith.constant 50 : i32
        %lt3A_509 = arith.cmpi slt, %add3A_508, %lt3A : i32
        %convert_element_type3A_510 = arith.extui %lt3A_509 : i1 to i32
        %cond3A_511 = arith.constant 0 : i32
        %cond3A_512 = arith.cmpi ne, %convert_element_type3A_510, %cond3A_511 : i32
        scf.if %cond3A_512 {
          %add3A_513 = arith.constant 1000 : i32
          %add3A_514 = arith.addi %add3A_258, %add3A_513 : i32
          %dma_start3A_515 = arith.constant 0 : i32
          %dma_start3A_516 = arith.constant 1 : i32
          %dma_start3A_517 = arith.constant 0 : i32
          %dma_start3A_518 = tpu.memref_slice %arg10[%dma_start3A_516, %dma_start3A_517] : memref<2x1000xi32, #tpu.memory_space<vmem>> -> memref<1x1000xi32, #tpu.memory_space<vmem>>
          %dma_start3A_519 = tpu.memref_squeeze %dma_start3A_518 : memref<1x1000xi32, #tpu.memory_space<vmem>> -> memref<1000xi32, #tpu.memory_space<vmem>>
          %dma_start3A_520 = tpu.memref_slice %arg5[%dma_start3A_515, %add3A_514] : memref<2x1600000xi32, #tpu.memory_space<hbm>> -> memref<1x1000xi32, #tpu.memory_space<hbm>>
          %dma_start3A_521 = tpu.memref_squeeze %dma_start3A_520 : memref<1x1000xi32, #tpu.memory_space<hbm>> -> memref<1000xi32, #tpu.memory_space<hbm>>
          %dma_start3A_522 = arith.constant 0 : i32
          %dma_start3A_523 = tpu.memref_slice %arg10[%dma_start3A_516, %dma_start3A_522] : memref<2x1000xi32, #tpu.memory_space<vmem>> -> memref<1x1000xi32, #tpu.memory_space<vmem>>
          %dma_start3A_524 = tpu.memref_squeeze %dma_start3A_523 : memref<1x1000xi32, #tpu.memory_space<vmem>> -> memref<1000xi32, #tpu.memory_space<vmem>>
          %dma_start3A_525 = tpu.memref_slice %arg5[%dma_start3A_515, %add3A_514] : memref<2x1600000xi32, #tpu.memory_space<hbm>> -> memref<1x1000xi32, #tpu.memory_space<hbm>>
          %dma_start3A_526 = tpu.memref_squeeze %dma_start3A_525 : memref<1x1000xi32, #tpu.memory_space<hbm>> -> memref<1000xi32, #tpu.memory_space<hbm>>
          tpu.enqueue_dma source(%dma_start3A_526 : memref<1000xi32, #tpu.memory_space<hbm>>) target(%dma_start3A_524 : memref<1000xi32, #tpu.memory_space<vmem>>) target_semaphore(%arg17 : memref<!tpu.dma_semaphore, #tpu.memory_space<semaphore_mem>>)
          %dma_start3A_527 = arith.constant 1 : i32
          %dma_start3A_528 = arith.constant 1 : i32
          %dma_start3A_529 = arith.constant 0 : i32
          %dma_start3A_530 = tpu.memref_slice %arg11[%dma_start3A_528, %dma_start3A_529] : memref<2x1000xi32, #tpu.memory_space<vmem>> -> memref<1x1000xi32, #tpu.memory_space<vmem>>
          %dma_start3A_531 = tpu.memref_squeeze %dma_start3A_530 : memref<1x1000xi32, #tpu.memory_space<vmem>> -> memref<1000xi32, #tpu.memory_space<vmem>>
          %dma_start3A_532 = tpu.memref_slice %arg5[%dma_start3A_527, %add3A_514] : memref<2x1600000xi32, #tpu.memory_space<hbm>> -> memref<1x1000xi32, #tpu.memory_space<hbm>>
          %dma_start3A_533 = tpu.memref_squeeze %dma_start3A_532 : memref<1x1000xi32, #tpu.memory_space<hbm>> -> memref<1000xi32, #tpu.memory_space<hbm>>
          %dma_start3A_534 = arith.constant 0 : i32
          %dma_start3A_535 = tpu.memref_slice %arg11[%dma_start3A_528, %dma_start3A_534] : memref<2x1000xi32, #tpu.memory_space<vmem>> -> memref<1x1000xi32, #tpu.memory_space<vmem>>
          %dma_start3A_536 = tpu.memref_squeeze %dma_start3A_535 : memref<1x1000xi32, #tpu.memory_space<vmem>> -> memref<1000xi32, #tpu.memory_space<vmem>>
          %dma_start3A_537 = tpu.memref_slice %arg5[%dma_start3A_527, %add3A_514] : memref<2x1600000xi32, #tpu.memory_space<hbm>> -> memref<1x1000xi32, #tpu.memory_space<hbm>>
          %dma_start3A_538 = tpu.memref_squeeze %dma_start3A_537 : memref<1x1000xi32, #tpu.memory_space<hbm>> -> memref<1000xi32, #tpu.memory_space<hbm>>
          tpu.enqueue_dma source(%dma_start3A_538 : memref<1000xi32, #tpu.memory_space<hbm>>) target(%dma_start3A_536 : memref<1000xi32, #tpu.memory_space<vmem>>) target_semaphore(%arg17 : memref<!tpu.dma_semaphore, #tpu.memory_space<semaphore_mem>>)
          %dma_start3A_539 = arith.constant 1 : i32
          %dma_start3A_540 = arith.constant 0 : i32
          %dma_start3A_541 = tpu.memref_slice %arg12[%dma_start3A_539, %dma_start3A_540] : memref<2x1000xi32, #tpu.memory_space<vmem>> -> memref<1x1000xi32, #tpu.memory_space<vmem>>
          %dma_start3A_542 = tpu.memref_squeeze %dma_start3A_541 : memref<1x1000xi32, #tpu.memory_space<vmem>> -> memref<1000xi32, #tpu.memory_space<vmem>>
          %dma_start3A_543 = tpu.memref_slice %arg6[%add3A_514] : memref<1600000xi32, #tpu.memory_space<hbm>> -> memref<1000xi32, #tpu.memory_space<hbm>>
          %dma_start3A_544 = arith.constant 0 : i32
          %dma_start3A_545 = tpu.memref_slice %arg12[%dma_start3A_539, %dma_start3A_544] : memref<2x1000xi32, #tpu.memory_space<vmem>> -> memref<1x1000xi32, #tpu.memory_space<vmem>>
          %dma_start3A_546 = tpu.memref_squeeze %dma_start3A_545 : memref<1x1000xi32, #tpu.memory_space<vmem>> -> memref<1000xi32, #tpu.memory_space<vmem>>
          %dma_start3A_547 = tpu.memref_slice %arg6[%add3A_514] : memref<1600000xi32, #tpu.memory_space<hbm>> -> memref<1000xi32, #tpu.memory_space<hbm>>
          tpu.enqueue_dma source(%dma_start3A_547 : memref<1000xi32, #tpu.memory_space<hbm>>) target(%dma_start3A_546 : memref<1000xi32, #tpu.memory_space<vmem>>) target_semaphore(%arg17 : memref<!tpu.dma_semaphore, #tpu.memory_space<semaphore_mem>>)
        } else {
        }
      } else {
      }
      %mul3A_335 = arith.constant 2 : i32
      %mul3A_336 = arith.muli %mul3A_335, %scan3A_251 : i32
      %add3A_337 = arith.constant 1 : i32
      %add3A_338 = arith.addi %mul3A_336, %add3A_337 : i32
      %mul3A_339 = arith.constant 1000 : i32
      %mul3A_340 = arith.muli %add3A_338, %mul3A_339 : i32
      %add3A_341 = arith.addi %mul3A_2, %mul3A_340 : i32
      %dma_wait3A_342 = arith.constant 1 : i32
      %dma_wait3A_343 = arith.constant 0 : i32
      %dma_wait3A_344 = tpu.memref_slice %arg12[%dma_wait3A_342, %dma_wait3A_343] : memref<2x1000xi32, #tpu.memory_space<vmem>> -> memref<1x1000xi32, #tpu.memory_space<vmem>>
      %dma_wait3A_345 = tpu.memref_squeeze %dma_wait3A_344 : memref<1x1000xi32, #tpu.memory_space<vmem>> -> memref<1000xi32, #tpu.memory_space<vmem>>
      %dma_wait3A_346 = arith.constant 0 : i32
      %dma_wait3A_347 = tpu.memref_slice %arg6[%dma_wait3A_346] : memref<1600000xi32, #tpu.memory_space<hbm>> -> memref<1000xi32, #tpu.memory_space<hbm>>
      %dma_wait3A_348 = arith.constant 0 : i32
      %dma_wait3A_349 = tpu.memref_slice %arg12[%dma_wait3A_342, %dma_wait3A_348] : memref<2x1000xi32, #tpu.memory_space<vmem>> -> memref<1x1000xi32, #tpu.memory_space<vmem>>
      %dma_wait3A_350 = tpu.memref_squeeze %dma_wait3A_349 : memref<1x1000xi32, #tpu.memory_space<vmem>> -> memref<1000xi32, #tpu.memory_space<vmem>>
      %dma_wait3A_351 = arith.constant 0 : i32
      %dma_wait3A_352 = tpu.memref_slice %arg6[%dma_wait3A_351] : memref<1600000xi32, #tpu.memory_space<hbm>> -> memref<1000xi32, #tpu.memory_space<hbm>>
      tpu.wait_dma2 semaphore(%arg17 : memref<!tpu.dma_semaphore, #tpu.memory_space<semaphore_mem>>) src(%dma_wait3A_352 : memref<1000xi32, #tpu.memory_space<hbm>>) dst(%dma_wait3A_350 : memref<1000xi32, #tpu.memory_space<vmem>>)
      %dma_wait3A_353 = arith.constant 1 : i32
      %dma_wait3A_354 = arith.constant 0 : i32
      %dma_wait3A_355 = tpu.memref_slice %arg12[%dma_wait3A_353, %dma_wait3A_354] : memref<2x1000xi32, #tpu.memory_space<vmem>> -> memref<1x1000xi32, #tpu.memory_space<vmem>>
      %dma_wait3A_356 = tpu.memref_squeeze %dma_wait3A_355 : memref<1x1000xi32, #tpu.memory_space<vmem>> -> memref<1000xi32, #tpu.memory_space<vmem>>
      %dma_wait3A_357 = arith.constant 0 : i32
      %dma_wait3A_358 = tpu.memref_slice %arg6[%dma_wait3A_357] : memref<1600000xi32, #tpu.memory_space<hbm>> -> memref<1000xi32, #tpu.memory_space<hbm>>
      %dma_wait3A_359 = arith.constant 0 : i32
      %dma_wait3A_360 = tpu.memref_slice %arg12[%dma_wait3A_353, %dma_wait3A_359] : memref<2x1000xi32, #tpu.memory_space<vmem>> -> memref<1x1000xi32, #tpu.memory_space<vmem>>
      %dma_wait3A_361 = tpu.memref_squeeze %dma_wait3A_360 : memref<1x1000xi32, #tpu.memory_space<vmem>> -> memref<1000xi32, #tpu.memory_space<vmem>>
      %dma_wait3A_362 = arith.constant 0 : i32
      %dma_wait3A_363 = tpu.memref_slice %arg6[%dma_wait3A_362] : memref<1600000xi32, #tpu.memory_space<hbm>> -> memref<1000xi32, #tpu.memory_space<hbm>>
      tpu.wait_dma2 semaphore(%arg17 : memref<!tpu.dma_semaphore, #tpu.memory_space<semaphore_mem>>) src(%dma_wait3A_363 : memref<1000xi32, #tpu.memory_space<hbm>>) dst(%dma_wait3A_361 : memref<1000xi32, #tpu.memory_space<vmem>>)
      %dma_wait3A_364 = arith.constant 1 : i32
      %dma_wait3A_365 = arith.constant 0 : i32
      %dma_wait3A_366 = tpu.memref_slice %arg12[%dma_wait3A_364, %dma_wait3A_365] : memref<2x1000xi32, #tpu.memory_space<vmem>> -> memref<1x1000xi32, #tpu.memory_space<vmem>>
      %dma_wait3A_367 = tpu.memref_squeeze %dma_wait3A_366 : memref<1x1000xi32, #tpu.memory_space<vmem>> -> memref<1000xi32, #tpu.memory_space<vmem>>
      %dma_wait3A_368 = arith.constant 0 : i32
      %dma_wait3A_369 = tpu.memref_slice %arg6[%dma_wait3A_368] : memref<1600000xi32, #tpu.memory_space<hbm>> -> memref<1000xi32, #tpu.memory_space<hbm>>
      %dma_wait3A_370 = arith.constant 0 : i32
      %dma_wait3A_371 = tpu.memref_slice %arg12[%dma_wait3A_364, %dma_wait3A_370] : memref<2x1000xi32, #tpu.memory_space<vmem>> -> memref<1x1000xi32, #tpu.memory_space<vmem>>
      %dma_wait3A_372 = tpu.memref_squeeze %dma_wait3A_371 : memref<1x1000xi32, #tpu.memory_space<vmem>> -> memref<1000xi32, #tpu.memory_space<vmem>>
      %dma_wait3A_373 = arith.constant 0 : i32
      %dma_wait3A_374 = tpu.memref_slice %arg6[%dma_wait3A_373] : memref<1600000xi32, #tpu.memory_space<hbm>> -> memref<1000xi32, #tpu.memory_space<hbm>>
      tpu.wait_dma2 semaphore(%arg17 : memref<!tpu.dma_semaphore, #tpu.memory_space<semaphore_mem>>) src(%dma_wait3A_374 : memref<1000xi32, #tpu.memory_space<hbm>>) dst(%dma_wait3A_372 : memref<1000xi32, #tpu.memory_space<vmem>>)
      %ge3A_375 = arith.constant 2 : i32
      %ge3A_376 = arith.cmpi sge, %add3A_338, %ge3A_375 : i32
      %convert_element_type3A_377 = arith.extui %ge3A_376 : i1 to i32
      %cond3A_378 = arith.constant 0 : i32
      %cond3A_379 = arith.cmpi ne, %convert_element_type3A_377, %cond3A_378 : i32
      scf.if %cond3A_379 {
        %dma_wait3A_421 = arith.constant 1 : i32
        %dma_wait3A_422 = arith.constant 0 : i32
        %dma_wait3A_423 = arith.constant 0 : i32
        %dma_wait3A_424 = tpu.memref_slice %arg13[%dma_wait3A_421, %dma_wait3A_422, %dma_wait3A_423] : memref<2x1000x8xf32, #tpu.memory_space<vmem>> -> memref<1x1000x8xf32, #tpu.memory_space<vmem>>
        %dma_wait3A_425 = tpu.memref_squeeze %dma_wait3A_424 : memref<1x1000x8xf32, #tpu.memory_space<vmem>> -> memref<1000x8xf32, #tpu.memory_space<vmem>>
        %dma_wait3A_426 = arith.constant 0 : i32
        %dma_wait3A_427 = arith.constant 0 : i32
        %dma_wait3A_428 = tpu.memref_slice %arg7[%dma_wait3A_426, %dma_wait3A_427] : memref<1600000x8xf32, #tpu.memory_space<hbm>> -> memref<1000x8xf32, #tpu.memory_space<hbm>>
        %dma_wait3A_429 = arith.constant 0 : i32
        %dma_wait3A_430 = arith.constant 0 : i32
        %dma_wait3A_431 = tpu.memref_slice %arg7[%dma_wait3A_429, %dma_wait3A_430] : memref<1600000x8xf32, #tpu.memory_space<hbm>> -> memref<1000x8xf32, #tpu.memory_space<hbm>>
        %dma_wait3A_432 = arith.constant 0 : i32
        %dma_wait3A_433 = arith.constant 0 : i32
        %dma_wait3A_434 = tpu.memref_slice %arg13[%dma_wait3A_421, %dma_wait3A_432, %dma_wait3A_433] : memref<2x1000x8xf32, #tpu.memory_space<vmem>> -> memref<1x1000x8xf32, #tpu.memory_space<vmem>>
        %dma_wait3A_435 = tpu.memref_squeeze %dma_wait3A_434 : memref<1x1000x8xf32, #tpu.memory_space<vmem>> -> memref<1000x8xf32, #tpu.memory_space<vmem>>
        tpu.wait_dma2 semaphore(%arg21 : memref<!tpu.dma_semaphore, #tpu.memory_space<semaphore_mem>>) src(%dma_wait3A_435 : memref<1000x8xf32, #tpu.memory_space<vmem>>) dst(%dma_wait3A_431 : memref<1000x8xf32, #tpu.memory_space<hbm>>)
        %dma_wait3A_436 = arith.constant 1 : i32
        %dma_wait3A_437 = arith.constant 0 : i32
        %dma_wait3A_438 = arith.constant 0 : i32
        %dma_wait3A_439 = tpu.memref_slice %arg13[%dma_wait3A_436, %dma_wait3A_437, %dma_wait3A_438] : memref<2x1000x8xf32, #tpu.memory_space<vmem>> -> memref<1x1000x8xf32, #tpu.memory_space<vmem>>
        %dma_wait3A_440 = tpu.memref_squeeze %dma_wait3A_439 : memref<1x1000x8xf32, #tpu.memory_space<vmem>> -> memref<1000x8xf32, #tpu.memory_space<vmem>>
        %dma_wait3A_441 = arith.constant 0 : i32
        %dma_wait3A_442 = arith.constant 0 : i32
        %dma_wait3A_443 = tpu.memref_slice %arg7[%dma_wait3A_441, %dma_wait3A_442] : memref<1600000x8xf32, #tpu.memory_space<hbm>> -> memref<1000x8xf32, #tpu.memory_space<hbm>>
        %dma_wait3A_444 = arith.constant 0 : i32
        %dma_wait3A_445 = arith.constant 0 : i32
        %dma_wait3A_446 = tpu.memref_slice %arg7[%dma_wait3A_444, %dma_wait3A_445] : memref<1600000x8xf32, #tpu.memory_space<hbm>> -> memref<1000x8xf32, #tpu.memory_space<hbm>>
        %dma_wait3A_447 = arith.constant 0 : i32
        %dma_wait3A_448 = arith.constant 0 : i32
        %dma_wait3A_449 = tpu.memref_slice %arg13[%dma_wait3A_436, %dma_wait3A_447, %dma_wait3A_448] : memref<2x1000x8xf32, #tpu.memory_space<vmem>> -> memref<1x1000x8xf32, #tpu.memory_space<vmem>>
        %dma_wait3A_450 = tpu.memref_squeeze %dma_wait3A_449 : memref<1x1000x8xf32, #tpu.memory_space<vmem>> -> memref<1000x8xf32, #tpu.memory_space<vmem>>
        tpu.wait_dma2 semaphore(%arg21 : memref<!tpu.dma_semaphore, #tpu.memory_space<semaphore_mem>>) src(%dma_wait3A_450 : memref<1000x8xf32, #tpu.memory_space<vmem>>) dst(%dma_wait3A_446 : memref<1000x8xf32, #tpu.memory_space<hbm>>)
        %dma_wait3A_451 = arith.constant 1 : i32
        %dma_wait3A_452 = arith.constant 0 : i32
        %dma_wait3A_453 = arith.constant 0 : i32
        %dma_wait3A_454 = tpu.memref_slice %arg13[%dma_wait3A_451, %dma_wait3A_452, %dma_wait3A_453] : memref<2x1000x8xf32, #tpu.memory_space<vmem>> -> memref<1x1000x8xf32, #tpu.memory_space<vmem>>
        %dma_wait3A_455 = tpu.memref_squeeze %dma_wait3A_454 : memref<1x1000x8xf32, #tpu.memory_space<vmem>> -> memref<1000x8xf32, #tpu.memory_space<vmem>>
        %dma_wait3A_456 = arith.constant 0 : i32
        %dma_wait3A_457 = arith.constant 0 : i32
        %dma_wait3A_458 = tpu.memref_slice %arg7[%dma_wait3A_456, %dma_wait3A_457] : memref<1600000x8xf32, #tpu.memory_space<hbm>> -> memref<1000x8xf32, #tpu.memory_space<hbm>>
        %dma_wait3A_459 = arith.constant 0 : i32
        %dma_wait3A_460 = arith.constant 0 : i32
        %dma_wait3A_461 = tpu.memref_slice %arg7[%dma_wait3A_459, %dma_wait3A_460] : memref<1600000x8xf32, #tpu.memory_space<hbm>> -> memref<1000x8xf32, #tpu.memory_space<hbm>>
        %dma_wait3A_462 = arith.constant 0 : i32
        %dma_wait3A_463 = arith.constant 0 : i32
        %dma_wait3A_464 = tpu.memref_slice %arg13[%dma_wait3A_451, %dma_wait3A_462, %dma_wait3A_463] : memref<2x1000x8xf32, #tpu.memory_space<vmem>> -> memref<1x1000x8xf32, #tpu.memory_space<vmem>>
        %dma_wait3A_465 = tpu.memref_squeeze %dma_wait3A_464 : memref<1x1000x8xf32, #tpu.memory_space<vmem>> -> memref<1000x8xf32, #tpu.memory_space<vmem>>
        tpu.wait_dma2 semaphore(%arg21 : memref<!tpu.dma_semaphore, #tpu.memory_space<semaphore_mem>>) src(%dma_wait3A_465 : memref<1000x8xf32, #tpu.memory_space<vmem>>) dst(%dma_wait3A_461 : memref<1000x8xf32, #tpu.memory_space<hbm>>)
      } else {
      }
      %dma_start3A_380 = arith.constant 1 : i32
      %dma_start3A_381 = arith.constant 1 : i32
      %dma_start3A_382 = arith.constant 0 : i32
      %dma_start3A_383 = arith.constant 0 : i32
      %dma_start3A_384 = tpu.memref_slice %arg13[%dma_start3A_381, %dma_start3A_382, %dma_start3A_383] : memref<2x1000x8xf32, #tpu.memory_space<vmem>> -> memref<1x1000x8xf32, #tpu.memory_space<vmem>>
      %dma_start3A_385 = tpu.memref_squeeze %dma_start3A_384 : memref<1x1000x8xf32, #tpu.memory_space<vmem>> -> memref<1000x8xf32, #tpu.memory_space<vmem>>
      %dma_start3A_386 = arith.constant 0 : i32
      %dma_start3A_387 = tpu.memref_slice %arg10[%dma_start3A_380, %dma_start3A_386] : memref<2x1000xi32, #tpu.memory_space<vmem>> -> memref<1x1000xi32, #tpu.memory_space<vmem>>
      %dma_start3A_388 = tpu.memref_squeeze %dma_start3A_387 : memref<1x1000xi32, #tpu.memory_space<vmem>> -> memref<1000xi32, #tpu.memory_space<vmem>>
      %dma_start3A_389 = arith.constant 0 : i32
      %dma_start3A_390 = arith.constant 0 : i32
      %dma_start3A_391 = tpu.memref_slice %arg2[%dma_start3A_389, %dma_start3A_390] : memref<102400x8xf32, #tpu.memory_space<hbm>> -> memref<102400x8xf32, #tpu.memory_space<hbm>>
      tpu.enqueue_indirect_dma source(%dma_start3A_391 : memref<102400x8xf32, #tpu.memory_space<hbm>>) target(%dma_start3A_385 : memref<1000x8xf32, #tpu.memory_space<vmem>>) offsets(%dma_start3A_388 : memref<1000xi32, #tpu.memory_space<vmem>>) semaphore(%arg19 : memref<!tpu.dma_semaphore, #tpu.memory_space<semaphore_mem>>)
      %dma_start3A_392 = arith.constant 1 : i32
      %dma_start3A_393 = arith.constant 1 : i32
      %dma_start3A_394 = arith.constant 0 : i32
      %dma_start3A_395 = arith.constant 0 : i32
      %dma_start3A_396 = tpu.memref_slice %arg14[%dma_start3A_393, %dma_start3A_394, %dma_start3A_395] : memref<2x1000x8xf32, #tpu.memory_space<vmem>> -> memref<1x1000x8xf32, #tpu.memory_space<vmem>>
      %dma_start3A_397 = tpu.memref_squeeze %dma_start3A_396 : memref<1x1000x8xf32, #tpu.memory_space<vmem>> -> memref<1000x8xf32, #tpu.memory_space<vmem>>
      %dma_start3A_398 = arith.constant 0 : i32
      %dma_start3A_399 = tpu.memref_slice %arg11[%dma_start3A_392, %dma_start3A_398] : memref<2x1000xi32, #tpu.memory_space<vmem>> -> memref<1x1000xi32, #tpu.memory_space<vmem>>
      %dma_start3A_400 = tpu.memref_squeeze %dma_start3A_399 : memref<1x1000xi32, #tpu.memory_space<vmem>> -> memref<1000xi32, #tpu.memory_space<vmem>>
      %dma_start3A_401 = arith.constant 0 : i32
      %dma_start3A_402 = arith.constant 0 : i32
      %dma_start3A_403 = tpu.memref_slice %arg3[%dma_start3A_401, %dma_start3A_402] : memref<102400x8xf32, #tpu.memory_space<hbm>> -> memref<102400x8xf32, #tpu.memory_space<hbm>>
      tpu.enqueue_indirect_dma source(%dma_start3A_403 : memref<102400x8xf32, #tpu.memory_space<hbm>>) target(%dma_start3A_397 : memref<1000x8xf32, #tpu.memory_space<vmem>>) offsets(%dma_start3A_400 : memref<1000xi32, #tpu.memory_space<vmem>>) semaphore(%arg19 : memref<!tpu.dma_semaphore, #tpu.memory_space<semaphore_mem>>)
      %dma_start3A_404 = arith.constant 1 : i32
      %dma_start3A_405 = arith.constant 1 : i32
      %dma_start3A_406 = arith.constant 0 : i32
      %dma_start3A_407 = arith.constant 0 : i32
      %dma_start3A_408 = tpu.memref_slice %arg15[%dma_start3A_405, %dma_start3A_406, %dma_start3A_407] : memref<2x1000x8xf32, #tpu.memory_space<vmem>> -> memref<1x1000x8xf32, #tpu.memory_space<vmem>>
      %dma_start3A_409 = tpu.memref_squeeze %dma_start3A_408 : memref<1x1000x8xf32, #tpu.memory_space<vmem>> -> memref<1000x8xf32, #tpu.memory_space<vmem>>
      %dma_start3A_410 = arith.constant 0 : i32
      %dma_start3A_411 = tpu.memref_slice %arg12[%dma_start3A_404, %dma_start3A_410] : memref<2x1000xi32, #tpu.memory_space<vmem>> -> memref<1x1000xi32, #tpu.memory_space<vmem>>
      %dma_start3A_412 = tpu.memref_squeeze %dma_start3A_411 : memref<1x1000xi32, #tpu.memory_space<vmem>> -> memref<1000xi32, #tpu.memory_space<vmem>>
      %dma_start3A_413 = arith.constant 0 : i32
      %dma_start3A_414 = arith.constant 0 : i32
      %dma_start3A_415 = tpu.memref_slice %arg4[%dma_start3A_413, %dma_start3A_414] : memref<1024x8xf32, #tpu.memory_space<hbm>> -> memref<1024x8xf32, #tpu.memory_space<hbm>>
      tpu.enqueue_indirect_dma source(%dma_start3A_415 : memref<1024x8xf32, #tpu.memory_space<hbm>>) target(%dma_start3A_409 : memref<1000x8xf32, #tpu.memory_space<vmem>>) offsets(%dma_start3A_412 : memref<1000xi32, #tpu.memory_space<vmem>>) semaphore(%arg19 : memref<!tpu.dma_semaphore, #tpu.memory_space<semaphore_mem>>)
      %ge3A_416 = arith.constant 1 : i32
      %ge3A_417 = arith.cmpi sge, %add3A_338, %ge3A_416 : i32
      %convert_element_type3A_418 = arith.extui %ge3A_417 : i1 to i32
      %cond3A_419 = arith.constant 0 : i32
      %cond3A_420 = arith.cmpi ne, %convert_element_type3A_418, %cond3A_419 : i32
      scf.if %cond3A_420 {
        %dma_wait3A_421 = arith.constant 0 : i32
        %dma_wait3A_422 = arith.constant 0 : i32
        %dma_wait3A_423 = arith.constant 0 : i32
        %dma_wait3A_424 = tpu.memref_slice %arg13[%dma_wait3A_421, %dma_wait3A_422, %dma_wait3A_423] : memref<2x1000x8xf32, #tpu.memory_space<vmem>> -> memref<1x1000x8xf32, #tpu.memory_space<vmem>>
        %dma_wait3A_425 = tpu.memref_squeeze %dma_wait3A_424 : memref<1x1000x8xf32, #tpu.memory_space<vmem>> -> memref<1000x8xf32, #tpu.memory_space<vmem>>
        %dma_wait3A_426 = arith.constant 0 : i32
        %dma_wait3A_427 = arith.constant 0 : i32
        %dma_wait3A_428 = tpu.memref_slice %arg2[%dma_wait3A_426, %dma_wait3A_427] : memref<102400x8xf32, #tpu.memory_space<hbm>> -> memref<1000x8xf32, #tpu.memory_space<hbm>>
        %dma_wait3A_429 = arith.constant 0 : i32
        %dma_wait3A_430 = arith.constant 0 : i32
        %dma_wait3A_431 = tpu.memref_slice %arg13[%dma_wait3A_421, %dma_wait3A_429, %dma_wait3A_430] : memref<2x1000x8xf32, #tpu.memory_space<vmem>> -> memref<1x1000x8xf32, #tpu.memory_space<vmem>>
        %dma_wait3A_432 = tpu.memref_squeeze %dma_wait3A_431 : memref<1x1000x8xf32, #tpu.memory_space<vmem>> -> memref<1000x8xf32, #tpu.memory_space<vmem>>
        %dma_wait3A_433 = arith.constant 0 : i32
        %dma_wait3A_434 = arith.constant 0 : i32
        %dma_wait3A_435 = tpu.memref_slice %arg2[%dma_wait3A_433, %dma_wait3A_434] : memref<102400x8xf32, #tpu.memory_space<hbm>> -> memref<1000x8xf32, #tpu.memory_space<hbm>>
        tpu.wait_dma2 semaphore(%arg18 : memref<!tpu.dma_semaphore, #tpu.memory_space<semaphore_mem>>) src(%dma_wait3A_435 : memref<1000x8xf32, #tpu.memory_space<hbm>>) dst(%dma_wait3A_432 : memref<1000x8xf32, #tpu.memory_space<vmem>>)
        %dma_wait3A_436 = arith.constant 0 : i32
        %dma_wait3A_437 = arith.constant 0 : i32
        %dma_wait3A_438 = arith.constant 0 : i32
        %dma_wait3A_439 = tpu.memref_slice %arg13[%dma_wait3A_436, %dma_wait3A_437, %dma_wait3A_438] : memref<2x1000x8xf32, #tpu.memory_space<vmem>> -> memref<1x1000x8xf32, #tpu.memory_space<vmem>>
        %dma_wait3A_440 = tpu.memref_squeeze %dma_wait3A_439 : memref<1x1000x8xf32, #tpu.memory_space<vmem>> -> memref<1000x8xf32, #tpu.memory_space<vmem>>
        %dma_wait3A_441 = arith.constant 0 : i32
        %dma_wait3A_442 = arith.constant 0 : i32
        %dma_wait3A_443 = tpu.memref_slice %arg2[%dma_wait3A_441, %dma_wait3A_442] : memref<102400x8xf32, #tpu.memory_space<hbm>> -> memref<1000x8xf32, #tpu.memory_space<hbm>>
        %dma_wait3A_444 = arith.constant 0 : i32
        %dma_wait3A_445 = arith.constant 0 : i32
        %dma_wait3A_446 = tpu.memref_slice %arg13[%dma_wait3A_436, %dma_wait3A_444, %dma_wait3A_445] : memref<2x1000x8xf32, #tpu.memory_space<vmem>> -> memref<1x1000x8xf32, #tpu.memory_space<vmem>>
        %dma_wait3A_447 = tpu.memref_squeeze %dma_wait3A_446 : memref<1x1000x8xf32, #tpu.memory_space<vmem>> -> memref<1000x8xf32, #tpu.memory_space<vmem>>
        %dma_wait3A_448 = arith.constant 0 : i32
        %dma_wait3A_449 = arith.constant 0 : i32
        %dma_wait3A_450 = tpu.memref_slice %arg2[%dma_wait3A_448, %dma_wait3A_449] : memref<102400x8xf32, #tpu.memory_space<hbm>> -> memref<1000x8xf32, #tpu.memory_space<hbm>>
        tpu.wait_dma2 semaphore(%arg18 : memref<!tpu.dma_semaphore, #tpu.memory_space<semaphore_mem>>) src(%dma_wait3A_450 : memref<1000x8xf32, #tpu.memory_space<hbm>>) dst(%dma_wait3A_447 : memref<1000x8xf32, #tpu.memory_space<vmem>>)
        %dma_wait3A_451 = arith.constant 0 : i32
        %dma_wait3A_452 = arith.constant 0 : i32
        %dma_wait3A_453 = arith.constant 0 : i32
        %dma_wait3A_454 = tpu.memref_slice %arg13[%dma_wait3A_451, %dma_wait3A_452, %dma_wait3A_453] : memref<2x1000x8xf32, #tpu.memory_space<vmem>> -> memref<1x1000x8xf32, #tpu.memory_space<vmem>>
        %dma_wait3A_455 = tpu.memref_squeeze %dma_wait3A_454 : memref<1x1000x8xf32, #tpu.memory_space<vmem>> -> memref<1000x8xf32, #tpu.memory_space<vmem>>
        %dma_wait3A_456 = arith.constant 0 : i32
        %dma_wait3A_457 = arith.constant 0 : i32
        %dma_wait3A_458 = tpu.memref_slice %arg2[%dma_wait3A_456, %dma_wait3A_457] : memref<102400x8xf32, #tpu.memory_space<hbm>> -> memref<1000x8xf32, #tpu.memory_space<hbm>>
        %dma_wait3A_459 = arith.constant 0 : i32
        %dma_wait3A_460 = arith.constant 0 : i32
        %dma_wait3A_461 = tpu.memref_slice %arg13[%dma_wait3A_451, %dma_wait3A_459, %dma_wait3A_460] : memref<2x1000x8xf32, #tpu.memory_space<vmem>> -> memref<1x1000x8xf32, #tpu.memory_space<vmem>>
        %dma_wait3A_462 = tpu.memref_squeeze %dma_wait3A_461 : memref<1x1000x8xf32, #tpu.memory_space<vmem>> -> memref<1000x8xf32, #tpu.memory_space<vmem>>
        %dma_wait3A_463 = arith.constant 0 : i32
        %dma_wait3A_464 = arith.constant 0 : i32
        %dma_wait3A_465 = tpu.memref_slice %arg2[%dma_wait3A_463, %dma_wait3A_464] : memref<102400x8xf32, #tpu.memory_space<hbm>> -> memref<1000x8xf32, #tpu.memory_space<hbm>>
        tpu.wait_dma2 semaphore(%arg18 : memref<!tpu.dma_semaphore, #tpu.memory_space<semaphore_mem>>) src(%dma_wait3A_465 : memref<1000x8xf32, #tpu.memory_space<hbm>>) dst(%dma_wait3A_462 : memref<1000x8xf32, #tpu.memory_space<vmem>>)
        %sub3A_466 = arith.constant 1000 : i32
        %sub3A_467 = arith.subi %add3A_341, %sub3A_466 : i32
        %dma_start3A_468 = arith.constant 0 : i32
        %dma_start3A_469 = arith.constant 0 : i32
        %dma_start3A_470 = arith.constant 0 : i32
        %dma_start3A_471 = tpu.memref_slice %arg13[%dma_start3A_468, %dma_start3A_469, %dma_start3A_470] : memref<2x1000x8xf32, #tpu.memory_space<vmem>> -> memref<1x1000x8xf32, #tpu.memory_space<vmem>>
        %dma_start3A_472 = tpu.memref_squeeze %dma_start3A_471 : memref<1x1000x8xf32, #tpu.memory_space<vmem>> -> memref<1000x8xf32, #tpu.memory_space<vmem>>
        %dma_start3A_473 = arith.constant 0 : i32
        %dma_start3A_474 = tpu.memref_slice %arg7[%sub3A_467, %dma_start3A_473] : memref<1600000x8xf32, #tpu.memory_space<hbm>> -> memref<1000x8xf32, #tpu.memory_space<hbm>>
        %dma_start3A_475 = arith.constant 0 : i32
        %dma_start3A_476 = tpu.memref_slice %arg7[%sub3A_467, %dma_start3A_475] : memref<1600000x8xf32, #tpu.memory_space<hbm>> -> memref<1000x8xf32, #tpu.memory_space<hbm>>
        %dma_start3A_477 = arith.constant 0 : i32
        %dma_start3A_478 = arith.constant 0 : i32
        %dma_start3A_479 = tpu.memref_slice %arg13[%dma_start3A_468, %dma_start3A_477, %dma_start3A_478] : memref<2x1000x8xf32, #tpu.memory_space<vmem>> -> memref<1x1000x8xf32, #tpu.memory_space<vmem>>
        %dma_start3A_480 = tpu.memref_squeeze %dma_start3A_479 : memref<1x1000x8xf32, #tpu.memory_space<vmem>> -> memref<1000x8xf32, #tpu.memory_space<vmem>>
        tpu.enqueue_dma source(%dma_start3A_480 : memref<1000x8xf32, #tpu.memory_space<vmem>>) target(%dma_start3A_476 : memref<1000x8xf32, #tpu.memory_space<hbm>>) target_semaphore(%arg20 : memref<!tpu.dma_semaphore, #tpu.memory_space<semaphore_mem>>)
        %dma_start3A_481 = arith.constant 0 : i32
        %dma_start3A_482 = arith.constant 0 : i32
        %dma_start3A_483 = arith.constant 0 : i32
        %dma_start3A_484 = tpu.memref_slice %arg14[%dma_start3A_481, %dma_start3A_482, %dma_start3A_483] : memref<2x1000x8xf32, #tpu.memory_space<vmem>> -> memref<1x1000x8xf32, #tpu.memory_space<vmem>>
        %dma_start3A_485 = tpu.memref_squeeze %dma_start3A_484 : memref<1x1000x8xf32, #tpu.memory_space<vmem>> -> memref<1000x8xf32, #tpu.memory_space<vmem>>
        %dma_start3A_486 = arith.constant 0 : i32
        %dma_start3A_487 = tpu.memref_slice %arg8[%sub3A_467, %dma_start3A_486] : memref<1600000x8xf32, #tpu.memory_space<hbm>> -> memref<1000x8xf32, #tpu.memory_space<hbm>>
        %dma_start3A_488 = arith.constant 0 : i32
        %dma_start3A_489 = tpu.memref_slice %arg8[%sub3A_467, %dma_start3A_488] : memref<1600000x8xf32, #tpu.memory_space<hbm>> -> memref<1000x8xf32, #tpu.memory_space<hbm>>
        %dma_start3A_490 = arith.constant 0 : i32
        %dma_start3A_491 = arith.constant 0 : i32
        %dma_start3A_492 = tpu.memref_slice %arg14[%dma_start3A_481, %dma_start3A_490, %dma_start3A_491] : memref<2x1000x8xf32, #tpu.memory_space<vmem>> -> memref<1x1000x8xf32, #tpu.memory_space<vmem>>
        %dma_start3A_493 = tpu.memref_squeeze %dma_start3A_492 : memref<1x1000x8xf32, #tpu.memory_space<vmem>> -> memref<1000x8xf32, #tpu.memory_space<vmem>>
        tpu.enqueue_dma source(%dma_start3A_493 : memref<1000x8xf32, #tpu.memory_space<vmem>>) target(%dma_start3A_489 : memref<1000x8xf32, #tpu.memory_space<hbm>>) target_semaphore(%arg20 : memref<!tpu.dma_semaphore, #tpu.memory_space<semaphore_mem>>)
        %dma_start3A_494 = arith.constant 0 : i32
        %dma_start3A_495 = arith.constant 0 : i32
        %dma_start3A_496 = arith.constant 0 : i32
        %dma_start3A_497 = tpu.memref_slice %arg15[%dma_start3A_494, %dma_start3A_495, %dma_start3A_496] : memref<2x1000x8xf32, #tpu.memory_space<vmem>> -> memref<1x1000x8xf32, #tpu.memory_space<vmem>>
        %dma_start3A_498 = tpu.memref_squeeze %dma_start3A_497 : memref<1x1000x8xf32, #tpu.memory_space<vmem>> -> memref<1000x8xf32, #tpu.memory_space<vmem>>
        %dma_start3A_499 = arith.constant 0 : i32
        %dma_start3A_500 = tpu.memref_slice %arg9[%sub3A_467, %dma_start3A_499] : memref<1600000x8xf32, #tpu.memory_space<hbm>> -> memref<1000x8xf32, #tpu.memory_space<hbm>>
        %dma_start3A_501 = arith.constant 0 : i32
        %dma_start3A_502 = tpu.memref_slice %arg9[%sub3A_467, %dma_start3A_501] : memref<1600000x8xf32, #tpu.memory_space<hbm>> -> memref<1000x8xf32, #tpu.memory_space<hbm>>
        %dma_start3A_503 = arith.constant 0 : i32
        %dma_start3A_504 = arith.constant 0 : i32
        %dma_start3A_505 = tpu.memref_slice %arg15[%dma_start3A_494, %dma_start3A_503, %dma_start3A_504] : memref<2x1000x8xf32, #tpu.memory_space<vmem>> -> memref<1x1000x8xf32, #tpu.memory_space<vmem>>
        %dma_start3A_506 = tpu.memref_squeeze %dma_start3A_505 : memref<1x1000x8xf32, #tpu.memory_space<vmem>> -> memref<1000x8xf32, #tpu.memory_space<vmem>>
        tpu.enqueue_dma source(%dma_start3A_506 : memref<1000x8xf32, #tpu.memory_space<vmem>>) target(%dma_start3A_502 : memref<1000x8xf32, #tpu.memory_space<hbm>>) target_semaphore(%arg20 : memref<!tpu.dma_semaphore, #tpu.memory_space<semaphore_mem>>)
        %add3A_507 = arith.constant 1 : i32
        %add3A_508 = arith.addi %add3A_338, %add3A_507 : i32
        %lt3A = arith.constant 50 : i32
        %lt3A_509 = arith.cmpi slt, %add3A_508, %lt3A : i32
        %convert_element_type3A_510 = arith.extui %lt3A_509 : i1 to i32
        %cond3A_511 = arith.constant 0 : i32
        %cond3A_512 = arith.cmpi ne, %convert_element_type3A_510, %cond3A_511 : i32
        scf.if %cond3A_512 {
          %add3A_513 = arith.constant 1000 : i32
          %add3A_514 = arith.addi %add3A_341, %add3A_513 : i32
          %dma_start3A_515 = arith.constant 0 : i32
          %dma_start3A_516 = arith.constant 0 : i32
          %dma_start3A_517 = arith.constant 0 : i32
          %dma_start3A_518 = tpu.memref_slice %arg10[%dma_start3A_516, %dma_start3A_517] : memref<2x1000xi32, #tpu.memory_space<vmem>> -> memref<1x1000xi32, #tpu.memory_space<vmem>>
          %dma_start3A_519 = tpu.memref_squeeze %dma_start3A_518 : memref<1x1000xi32, #tpu.memory_space<vmem>> -> memref<1000xi32, #tpu.memory_space<vmem>>
          %dma_start3A_520 = tpu.memref_slice %arg5[%dma_start3A_515, %add3A_514] : memref<2x1600000xi32, #tpu.memory_space<hbm>> -> memref<1x1000xi32, #tpu.memory_space<hbm>>
          %dma_start3A_521 = tpu.memref_squeeze %dma_start3A_520 : memref<1x1000xi32, #tpu.memory_space<hbm>> -> memref<1000xi32, #tpu.memory_space<hbm>>
          %dma_start3A_522 = arith.constant 0 : i32
          %dma_start3A_523 = tpu.memref_slice %arg10[%dma_start3A_516, %dma_start3A_522] : memref<2x1000xi32, #tpu.memory_space<vmem>> -> memref<1x1000xi32, #tpu.memory_space<vmem>>
          %dma_start3A_524 = tpu.memref_squeeze %dma_start3A_523 : memref<1x1000xi32, #tpu.memory_space<vmem>> -> memref<1000xi32, #tpu.memory_space<vmem>>
          %dma_start3A_525 = tpu.memref_slice %arg5[%dma_start3A_515, %add3A_514] : memref<2x1600000xi32, #tpu.memory_space<hbm>> -> memref<1x1000xi32, #tpu.memory_space<hbm>>
          %dma_start3A_526 = tpu.memref_squeeze %dma_start3A_525 : memref<1x1000xi32, #tpu.memory_space<hbm>> -> memref<1000xi32, #tpu.memory_space<hbm>>
          tpu.enqueue_dma source(%dma_start3A_526 : memref<1000xi32, #tpu.memory_space<hbm>>) target(%dma_start3A_524 : memref<1000xi32, #tpu.memory_space<vmem>>) target_semaphore(%arg16 : memref<!tpu.dma_semaphore, #tpu.memory_space<semaphore_mem>>)
          %dma_start3A_527 = arith.constant 1 : i32
          %dma_start3A_528 = arith.constant 0 : i32
          %dma_start3A_529 = arith.constant 0 : i32
          %dma_start3A_530 = tpu.memref_slice %arg11[%dma_start3A_528, %dma_start3A_529] : memref<2x1000xi32, #tpu.memory_space<vmem>> -> memref<1x1000xi32, #tpu.memory_space<vmem>>
          %dma_start3A_531 = tpu.memref_squeeze %dma_start3A_530 : memref<1x1000xi32, #tpu.memory_space<vmem>> -> memref<1000xi32, #tpu.memory_space<vmem>>
          %dma_start3A_532 = tpu.memref_slice %arg5[%dma_start3A_527, %add3A_514] : memref<2x1600000xi32, #tpu.memory_space<hbm>> -> memref<1x1000xi32, #tpu.memory_space<hbm>>
          %dma_start3A_533 = tpu.memref_squeeze %dma_start3A_532 : memref<1x1000xi32, #tpu.memory_space<hbm>> -> memref<1000xi32, #tpu.memory_space<hbm>>
          %dma_start3A_534 = arith.constant 0 : i32
          %dma_start3A_535 = tpu.memref_slice %arg11[%dma_start3A_528, %dma_start3A_534] : memref<2x1000xi32, #tpu.memory_space<vmem>> -> memref<1x1000xi32, #tpu.memory_space<vmem>>
          %dma_start3A_536 = tpu.memref_squeeze %dma_start3A_535 : memref<1x1000xi32, #tpu.memory_space<vmem>> -> memref<1000xi32, #tpu.memory_space<vmem>>
          %dma_start3A_537 = tpu.memref_slice %arg5[%dma_start3A_527, %add3A_514] : memref<2x1600000xi32, #tpu.memory_space<hbm>> -> memref<1x1000xi32, #tpu.memory_space<hbm>>
          %dma_start3A_538 = tpu.memref_squeeze %dma_start3A_537 : memref<1x1000xi32, #tpu.memory_space<hbm>> -> memref<1000xi32, #tpu.memory_space<hbm>>
          tpu.enqueue_dma source(%dma_start3A_538 : memref<1000xi32, #tpu.memory_space<hbm>>) target(%dma_start3A_536 : memref<1000xi32, #tpu.memory_space<vmem>>) target_semaphore(%arg16 : memref<!tpu.dma_semaphore, #tpu.memory_space<semaphore_mem>>)
          %dma_start3A_539 = arith.constant 0 : i32
          %dma_start3A_540 = arith.constant 0 : i32
          %dma_start3A_541 = tpu.memref_slice %arg12[%dma_start3A_539, %dma_start3A_540] : memref<2x1000xi32, #tpu.memory_space<vmem>> -> memref<1x1000xi32, #tpu.memory_space<vmem>>
          %dma_start3A_542 = tpu.memref_squeeze %dma_start3A_541 : memref<1x1000xi32, #tpu.memory_space<vmem>> -> memref<1000xi32, #tpu.memory_space<vmem>>
          %dma_start3A_543 = tpu.memref_slice %arg6[%add3A_514] : memref<1600000xi32, #tpu.memory_space<hbm>> -> memref<1000xi32, #tpu.memory_space<hbm>>
          %dma_start3A_544 = arith.constant 0 : i32
          %dma_start3A_545 = tpu.memref_slice %arg12[%dma_start3A_539, %dma_start3A_544] : memref<2x1000xi32, #tpu.memory_space<vmem>> -> memref<1x1000xi32, #tpu.memory_space<vmem>>
          %dma_start3A_546 = tpu.memref_squeeze %dma_start3A_545 : memref<1x1000xi32, #tpu.memory_space<vmem>> -> memref<1000xi32, #tpu.memory_space<vmem>>
          %dma_start3A_547 = tpu.memref_slice %arg6[%add3A_514] : memref<1600000xi32, #tpu.memory_space<hbm>> -> memref<1000xi32, #tpu.memory_space<hbm>>
          tpu.enqueue_dma source(%dma_start3A_547 : memref<1000xi32, #tpu.memory_space<hbm>>) target(%dma_start3A_546 : memref<1000xi32, #tpu.memory_space<vmem>>) target_semaphore(%arg16 : memref<!tpu.dma_semaphore, #tpu.memory_space<semaphore_mem>>)
        } else {
        }
      } else {
      }
    }
    %scan3A_74 = arith.constant 25 : i32
    %dma_wait3A = arith.constant 1 : i32
    %dma_wait3A_75 = arith.constant 0 : i32
    %dma_wait3A_76 = arith.constant 0 : i32
    %dma_wait3A_77 = tpu.memref_slice %arg13[%dma_wait3A, %dma_wait3A_75, %dma_wait3A_76] : memref<2x1000x8xf32, #tpu.memory_space<vmem>> -> memref<1x1000x8xf32, #tpu.memory_space<vmem>>
    %dma_wait3A_78 = tpu.memref_squeeze %dma_wait3A_77 : memref<1x1000x8xf32, #tpu.memory_space<vmem>> -> memref<1000x8xf32, #tpu.memory_space<vmem>>
    %dma_wait3A_79 = arith.constant 0 : i32
    %dma_wait3A_80 = arith.constant 0 : i32
    %dma_wait3A_81 = tpu.memref_slice %arg2[%dma_wait3A_79, %dma_wait3A_80] : memref<102400x8xf32, #tpu.memory_space<hbm>> -> memref<1000x8xf32, #tpu.memory_space<hbm>>
    %dma_wait3A_82 = arith.constant 0 : i32
    %dma_wait3A_83 = arith.constant 0 : i32
    %dma_wait3A_84 = tpu.memref_slice %arg13[%dma_wait3A, %dma_wait3A_82, %dma_wait3A_83] : memref<2x1000x8xf32, #tpu.memory_space<vmem>> -> memref<1x1000x8xf32, #tpu.memory_space<vmem>>
    %dma_wait3A_85 = tpu.memref_squeeze %dma_wait3A_84 : memref<1x1000x8xf32, #tpu.memory_space<vmem>> -> memref<1000x8xf32, #tpu.memory_space<vmem>>
    %dma_wait3A_86 = arith.constant 0 : i32
    %dma_wait3A_87 = arith.constant 0 : i32
    %dma_wait3A_88 = tpu.memref_slice %arg2[%dma_wait3A_86, %dma_wait3A_87] : memref<102400x8xf32, #tpu.memory_space<hbm>> -> memref<1000x8xf32, #tpu.memory_space<hbm>>
    tpu.wait_dma2 semaphore(%arg19 : memref<!tpu.dma_semaphore, #tpu.memory_space<semaphore_mem>>) src(%dma_wait3A_88 : memref<1000x8xf32, #tpu.memory_space<hbm>>) dst(%dma_wait3A_85 : memref<1000x8xf32, #tpu.memory_space<vmem>>)
    %dma_wait3A_89 = arith.constant 1 : i32
    %dma_wait3A_90 = arith.constant 0 : i32
    %dma_wait3A_91 = arith.constant 0 : i32
    %dma_wait3A_92 = tpu.memref_slice %arg13[%dma_wait3A_89, %dma_wait3A_90, %dma_wait3A_91] : memref<2x1000x8xf32, #tpu.memory_space<vmem>> -> memref<1x1000x8xf32, #tpu.memory_space<vmem>>
    %dma_wait3A_93 = tpu.memref_squeeze %dma_wait3A_92 : memref<1x1000x8xf32, #tpu.memory_space<vmem>> -> memref<1000x8xf32, #tpu.memory_space<vmem>>
    %dma_wait3A_94 = arith.constant 0 : i32
    %dma_wait3A_95 = arith.constant 0 : i32
    %dma_wait3A_96 = tpu.memref_slice %arg2[%dma_wait3A_94, %dma_wait3A_95] : memref<102400x8xf32, #tpu.memory_space<hbm>> -> memref<1000x8xf32, #tpu.memory_space<hbm>>
    %dma_wait3A_97 = arith.constant 0 : i32
    %dma_wait3A_98 = arith.constant 0 : i32
    %dma_wait3A_99 = tpu.memref_slice %arg13[%dma_wait3A_89, %dma_wait3A_97, %dma_wait3A_98] : memref<2x1000x8xf32, #tpu.memory_space<vmem>> -> memref<1x1000x8xf32, #tpu.memory_space<vmem>>
    %dma_wait3A_100 = tpu.memref_squeeze %dma_wait3A_99 : memref<1x1000x8xf32, #tpu.memory_space<vmem>> -> memref<1000x8xf32, #tpu.memory_space<vmem>>
    %dma_wait3A_101 = arith.constant 0 : i32
    %dma_wait3A_102 = arith.constant 0 : i32
    %dma_wait3A_103 = tpu.memref_slice %arg2[%dma_wait3A_101, %dma_wait3A_102] : memref<102400x8xf32, #tpu.memory_space<hbm>> -> memref<1000x8xf32, #tpu.memory_space<hbm>>
    tpu.wait_dma2 semaphore(%arg19 : memref<!tpu.dma_semaphore, #tpu.memory_space<semaphore_mem>>) src(%dma_wait3A_103 : memref<1000x8xf32, #tpu.memory_space<hbm>>) dst(%dma_wait3A_100 : memref<1000x8xf32, #tpu.memory_space<vmem>>)
    %dma_wait3A_104 = arith.constant 1 : i32
    %dma_wait3A_105 = arith.constant 0 : i32
    %dma_wait3A_106 = arith.constant 0 : i32
    %dma_wait3A_107 = tpu.memref_slice %arg13[%dma_wait3A_104, %dma_wait3A_105, %dma_wait3A_106] : memref<2x1000x8xf32, #tpu.memory_space<vmem>> -> memref<1x1000x8xf32, #tpu.memory_space<vmem>>
    %dma_wait3A_108 = tpu.memref_squeeze %dma_wait3A_107 : memref<1x1000x8xf32, #tpu.memory_space<vmem>> -> memref<1000x8xf32, #tpu.memory_space<vmem>>
    %dma_wait3A_109 = arith.constant 0 : i32
    %dma_wait3A_110 = arith.constant 0 : i32
    %dma_wait3A_111 = tpu.memref_slice %arg2[%dma_wait3A_109, %dma_wait3A_110] : memref<102400x8xf32, #tpu.memory_space<hbm>> -> memref<1000x8xf32, #tpu.memory_space<hbm>>
    %dma_wait3A_112 = arith.constant 0 : i32
    %dma_wait3A_113 = arith.constant 0 : i32
    %dma_wait3A_114 = tpu.memref_slice %arg13[%dma_wait3A_104, %dma_wait3A_112, %dma_wait3A_113] : memref<2x1000x8xf32, #tpu.memory_space<vmem>> -> memref<1x1000x8xf32, #tpu.memory_space<vmem>>
    %dma_wait3A_115 = tpu.memref_squeeze %dma_wait3A_114 : memref<1x1000x8xf32, #tpu.memory_space<vmem>> -> memref<1000x8xf32, #tpu.memory_space<vmem>>
    %dma_wait3A_116 = arith.constant 0 : i32
    %dma_wait3A_117 = arith.constant 0 : i32
    %dma_wait3A_118 = tpu.memref_slice %arg2[%dma_wait3A_116, %dma_wait3A_117] : memref<102400x8xf32, #tpu.memory_space<hbm>> -> memref<1000x8xf32, #tpu.memory_space<hbm>>
    tpu.wait_dma2 semaphore(%arg19 : memref<!tpu.dma_semaphore, #tpu.memory_space<semaphore_mem>>) src(%dma_wait3A_118 : memref<1000x8xf32, #tpu.memory_space<hbm>>) dst(%dma_wait3A_115 : memref<1000x8xf32, #tpu.memory_space<vmem>>)
    %add3A_119 = arith.constant 50000 : i32
    %add3A_120 = arith.addi %mul3A_2, %add3A_119 : i32
    %sub3A = arith.constant 1000 : i32
    %sub3A_121 = arith.subi %add3A_120, %sub3A : i32
    %dma_start3A_122 = arith.constant 1 : i32
    %dma_start3A_123 = arith.constant 0 : i32
    %dma_start3A_124 = arith.constant 0 : i32
    %dma_start3A_125 = tpu.memref_slice %arg13[%dma_start3A_122, %dma_start3A_123, %dma_start3A_124] : memref<2x1000x8xf32, #tpu.memory_space<vmem>> -> memref<1x1000x8xf32, #tpu.memory_space<vmem>>
    %dma_start3A_126 = tpu.memref_squeeze %dma_start3A_125 : memref<1x1000x8xf32, #tpu.memory_space<vmem>> -> memref<1000x8xf32, #tpu.memory_space<vmem>>
    %dma_start3A_127 = arith.constant 0 : i32
    %dma_start3A_128 = tpu.memref_slice %arg7[%sub3A_121, %dma_start3A_127] : memref<1600000x8xf32, #tpu.memory_space<hbm>> -> memref<1000x8xf32, #tpu.memory_space<hbm>>
    %dma_start3A_129 = arith.constant 0 : i32
    %dma_start3A_130 = tpu.memref_slice %arg7[%sub3A_121, %dma_start3A_129] : memref<1600000x8xf32, #tpu.memory_space<hbm>> -> memref<1000x8xf32, #tpu.memory_space<hbm>>
    %dma_start3A_131 = arith.constant 0 : i32
    %dma_start3A_132 = arith.constant 0 : i32
    %dma_start3A_133 = tpu.memref_slice %arg13[%dma_start3A_122, %dma_start3A_131, %dma_start3A_132] : memref<2x1000x8xf32, #tpu.memory_space<vmem>> -> memref<1x1000x8xf32, #tpu.memory_space<vmem>>
    %dma_start3A_134 = tpu.memref_squeeze %dma_start3A_133 : memref<1x1000x8xf32, #tpu.memory_space<vmem>> -> memref<1000x8xf32, #tpu.memory_space<vmem>>
    tpu.enqueue_dma source(%dma_start3A_134 : memref<1000x8xf32, #tpu.memory_space<vmem>>) target(%dma_start3A_130 : memref<1000x8xf32, #tpu.memory_space<hbm>>) target_semaphore(%arg21 : memref<!tpu.dma_semaphore, #tpu.memory_space<semaphore_mem>>)
    %dma_start3A_135 = arith.constant 1 : i32
    %dma_start3A_136 = arith.constant 0 : i32
    %dma_start3A_137 = arith.constant 0 : i32
    %dma_start3A_138 = tpu.memref_slice %arg14[%dma_start3A_135, %dma_start3A_136, %dma_start3A_137] : memref<2x1000x8xf32, #tpu.memory_space<vmem>> -> memref<1x1000x8xf32, #tpu.memory_space<vmem>>
    %dma_start3A_139 = tpu.memref_squeeze %dma_start3A_138 : memref<1x1000x8xf32, #tpu.memory_space<vmem>> -> memref<1000x8xf32, #tpu.memory_space<vmem>>
    %dma_start3A_140 = arith.constant 0 : i32
    %dma_start3A_141 = tpu.memref_slice %arg8[%sub3A_121, %dma_start3A_140] : memref<1600000x8xf32, #tpu.memory_space<hbm>> -> memref<1000x8xf32, #tpu.memory_space<hbm>>
    %dma_start3A_142 = arith.constant 0 : i32
    %dma_start3A_143 = tpu.memref_slice %arg8[%sub3A_121, %dma_start3A_142] : memref<1600000x8xf32, #tpu.memory_space<hbm>> -> memref<1000x8xf32, #tpu.memory_space<hbm>>
    %dma_start3A_144 = arith.constant 0 : i32
    %dma_start3A_145 = arith.constant 0 : i32
    %dma_start3A_146 = tpu.memref_slice %arg14[%dma_start3A_135, %dma_start3A_144, %dma_start3A_145] : memref<2x1000x8xf32, #tpu.memory_space<vmem>> -> memref<1x1000x8xf32, #tpu.memory_space<vmem>>
    %dma_start3A_147 = tpu.memref_squeeze %dma_start3A_146 : memref<1x1000x8xf32, #tpu.memory_space<vmem>> -> memref<1000x8xf32, #tpu.memory_space<vmem>>
    tpu.enqueue_dma source(%dma_start3A_147 : memref<1000x8xf32, #tpu.memory_space<vmem>>) target(%dma_start3A_143 : memref<1000x8xf32, #tpu.memory_space<hbm>>) target_semaphore(%arg21 : memref<!tpu.dma_semaphore, #tpu.memory_space<semaphore_mem>>)
    %dma_start3A_148 = arith.constant 1 : i32
    %dma_start3A_149 = arith.constant 0 : i32
    %dma_start3A_150 = arith.constant 0 : i32
    %dma_start3A_151 = tpu.memref_slice %arg15[%dma_start3A_148, %dma_start3A_149, %dma_start3A_150] : memref<2x1000x8xf32, #tpu.memory_space<vmem>> -> memref<1x1000x8xf32, #tpu.memory_space<vmem>>
    %dma_start3A_152 = tpu.memref_squeeze %dma_start3A_151 : memref<1x1000x8xf32, #tpu.memory_space<vmem>> -> memref<1000x8xf32, #tpu.memory_space<vmem>>
    %dma_start3A_153 = arith.constant 0 : i32
    %dma_start3A_154 = tpu.memref_slice %arg9[%sub3A_121, %dma_start3A_153] : memref<1600000x8xf32, #tpu.memory_space<hbm>> -> memref<1000x8xf32, #tpu.memory_space<hbm>>
    %dma_start3A_155 = arith.constant 0 : i32
    %dma_start3A_156 = tpu.memref_slice %arg9[%sub3A_121, %dma_start3A_155] : memref<1600000x8xf32, #tpu.memory_space<hbm>> -> memref<1000x8xf32, #tpu.memory_space<hbm>>
    %dma_start3A_157 = arith.constant 0 : i32
    %dma_start3A_158 = arith.constant 0 : i32
    %dma_start3A_159 = tpu.memref_slice %arg15[%dma_start3A_148, %dma_start3A_157, %dma_start3A_158] : memref<2x1000x8xf32, #tpu.memory_space<vmem>> -> memref<1x1000x8xf32, #tpu.memory_space<vmem>>
    %dma_start3A_160 = tpu.memref_squeeze %dma_start3A_159 : memref<1x1000x8xf32, #tpu.memory_space<vmem>> -> memref<1000x8xf32, #tpu.memory_space<vmem>>
    tpu.enqueue_dma source(%dma_start3A_160 : memref<1000x8xf32, #tpu.memory_space<vmem>>) target(%dma_start3A_156 : memref<1000x8xf32, #tpu.memory_space<hbm>>) target_semaphore(%arg21 : memref<!tpu.dma_semaphore, #tpu.memory_space<semaphore_mem>>)
    %dma_wait3A_161 = arith.constant 0 : i32
    %dma_wait3A_162 = arith.constant 0 : i32
    %dma_wait3A_163 = arith.constant 0 : i32
    %dma_wait3A_164 = tpu.memref_slice %arg13[%dma_wait3A_161, %dma_wait3A_162, %dma_wait3A_163] : memref<2x1000x8xf32, #tpu.memory_space<vmem>> -> memref<1x1000x8xf32, #tpu.memory_space<vmem>>
    %dma_wait3A_165 = tpu.memref_squeeze %dma_wait3A_164 : memref<1x1000x8xf32, #tpu.memory_space<vmem>> -> memref<1000x8xf32, #tpu.memory_space<vmem>>
    %dma_wait3A_166 = arith.constant 0 : i32
    %dma_wait3A_167 = arith.constant 0 : i32
    %dma_wait3A_168 = tpu.memref_slice %arg7[%dma_wait3A_166, %dma_wait3A_167] : memref<1600000x8xf32, #tpu.memory_space<hbm>> -> memref<1000x8xf32, #tpu.memory_space<hbm>>
    %dma_wait3A_169 = arith.constant 0 : i32
    %dma_wait3A_170 = arith.constant 0 : i32
    %dma_wait3A_171 = tpu.memref_slice %arg7[%dma_wait3A_169, %dma_wait3A_170] : memref<1600000x8xf32, #tpu.memory_space<hbm>> -> memref<1000x8xf32, #tpu.memory_space<hbm>>
    %dma_wait3A_172 = arith.constant 0 : i32
    %dma_wait3A_173 = arith.constant 0 : i32
    %dma_wait3A_174 = tpu.memref_slice %arg13[%dma_wait3A_161, %dma_wait3A_172, %dma_wait3A_173] : memref<2x1000x8xf32, #tpu.memory_space<vmem>> -> memref<1x1000x8xf32, #tpu.memory_space<vmem>>
    %dma_wait3A_175 = tpu.memref_squeeze %dma_wait3A_174 : memref<1x1000x8xf32, #tpu.memory_space<vmem>> -> memref<1000x8xf32, #tpu.memory_space<vmem>>
    tpu.wait_dma2 semaphore(%arg20 : memref<!tpu.dma_semaphore, #tpu.memory_space<semaphore_mem>>) src(%dma_wait3A_175 : memref<1000x8xf32, #tpu.memory_space<vmem>>) dst(%dma_wait3A_171 : memref<1000x8xf32, #tpu.memory_space<hbm>>)
    %dma_wait3A_176 = arith.constant 0 : i32
    %dma_wait3A_177 = arith.constant 0 : i32
    %dma_wait3A_178 = arith.constant 0 : i32
    %dma_wait3A_179 = tpu.memref_slice %arg13[%dma_wait3A_176, %dma_wait3A_177, %dma_wait3A_178] : memref<2x1000x8xf32, #tpu.memory_space<vmem>> -> memref<1x1000x8xf32, #tpu.memory_space<vmem>>
    %dma_wait3A_180 = tpu.memref_squeeze %dma_wait3A_179 : memref<1x1000x8xf32, #tpu.memory_space<vmem>> -> memref<1000x8xf32, #tpu.memory_space<vmem>>
    %dma_wait3A_181 = arith.constant 0 : i32
    %dma_wait3A_182 = arith.constant 0 : i32
    %dma_wait3A_183 = tpu.memref_slice %arg7[%dma_wait3A_181, %dma_wait3A_182] : memref<1600000x8xf32, #tpu.memory_space<hbm>> -> memref<1000x8xf32, #tpu.memory_space<hbm>>
    %dma_wait3A_184 = arith.constant 0 : i32
    %dma_wait3A_185 = arith.constant 0 : i32
    %dma_wait3A_186 = tpu.memref_slice %arg7[%dma_wait3A_184, %dma_wait3A_185] : memref<1600000x8xf32, #tpu.memory_space<hbm>> -> memref<1000x8xf32, #tpu.memory_space<hbm>>
    %dma_wait3A_187 = arith.constant 0 : i32
    %dma_wait3A_188 = arith.constant 0 : i32
    %dma_wait3A_189 = tpu.memref_slice %arg13[%dma_wait3A_176, %dma_wait3A_187, %dma_wait3A_188] : memref<2x1000x8xf32, #tpu.memory_space<vmem>> -> memref<1x1000x8xf32, #tpu.memory_space<vmem>>
    %dma_wait3A_190 = tpu.memref_squeeze %dma_wait3A_189 : memref<1x1000x8xf32, #tpu.memory_space<vmem>> -> memref<1000x8xf32, #tpu.memory_space<vmem>>
    tpu.wait_dma2 semaphore(%arg20 : memref<!tpu.dma_semaphore, #tpu.memory_space<semaphore_mem>>) src(%dma_wait3A_190 : memref<1000x8xf32, #tpu.memory_space<vmem>>) dst(%dma_wait3A_186 : memref<1000x8xf32, #tpu.memory_space<hbm>>)
    %dma_wait3A_191 = arith.constant 0 : i32
    %dma_wait3A_192 = arith.constant 0 : i32
    %dma_wait3A_193 = arith.constant 0 : i32
    %dma_wait3A_194 = tpu.memref_slice %arg13[%dma_wait3A_191, %dma_wait3A_192, %dma_wait3A_193] : memref<2x1000x8xf32, #tpu.memory_space<vmem>> -> memref<1x1000x8xf32, #tpu.memory_space<vmem>>
    %dma_wait3A_195 = tpu.memref_squeeze %dma_wait3A_194 : memref<1x1000x8xf32, #tpu.memory_space<vmem>> -> memref<1000x8xf32, #tpu.memory_space<vmem>>
    %dma_wait3A_196 = arith.constant 0 : i32
    %dma_wait3A_197 = arith.constant 0 : i32
    %dma_wait3A_198 = tpu.memref_slice %arg7[%dma_wait3A_196, %dma_wait3A_197] : memref<1600000x8xf32, #tpu.memory_space<hbm>> -> memref<1000x8xf32, #tpu.memory_space<hbm>>
    %dma_wait3A_199 = arith.constant 0 : i32
    %dma_wait3A_200 = arith.constant 0 : i32
    %dma_wait3A_201 = tpu.memref_slice %arg7[%dma_wait3A_199, %dma_wait3A_200] : memref<1600000x8xf32, #tpu.memory_space<hbm>> -> memref<1000x8xf32, #tpu.memory_space<hbm>>
    %dma_wait3A_202 = arith.constant 0 : i32
    %dma_wait3A_203 = arith.constant 0 : i32
    %dma_wait3A_204 = tpu.memref_slice %arg13[%dma_wait3A_191, %dma_wait3A_202, %dma_wait3A_203] : memref<2x1000x8xf32, #tpu.memory_space<vmem>> -> memref<1x1000x8xf32, #tpu.memory_space<vmem>>
    %dma_wait3A_205 = tpu.memref_squeeze %dma_wait3A_204 : memref<1x1000x8xf32, #tpu.memory_space<vmem>> -> memref<1000x8xf32, #tpu.memory_space<vmem>>
    tpu.wait_dma2 semaphore(%arg20 : memref<!tpu.dma_semaphore, #tpu.memory_space<semaphore_mem>>) src(%dma_wait3A_205 : memref<1000x8xf32, #tpu.memory_space<vmem>>) dst(%dma_wait3A_201 : memref<1000x8xf32, #tpu.memory_space<hbm>>)
    %dma_wait3A_206 = arith.constant 1 : i32
    %dma_wait3A_207 = arith.constant 0 : i32
    %dma_wait3A_208 = arith.constant 0 : i32
    %dma_wait3A_209 = tpu.memref_slice %arg13[%dma_wait3A_206, %dma_wait3A_207, %dma_wait3A_208] : memref<2x1000x8xf32, #tpu.memory_space<vmem>> -> memref<1x1000x8xf32, #tpu.memory_space<vmem>>
    %dma_wait3A_210 = tpu.memref_squeeze %dma_wait3A_209 : memref<1x1000x8xf32, #tpu.memory_space<vmem>> -> memref<1000x8xf32, #tpu.memory_space<vmem>>
    %dma_wait3A_211 = arith.constant 0 : i32
    %dma_wait3A_212 = arith.constant 0 : i32
    %dma_wait3A_213 = tpu.memref_slice %arg7[%dma_wait3A_211, %dma_wait3A_212] : memref<1600000x8xf32, #tpu.memory_space<hbm>> -> memref<1000x8xf32, #tpu.memory_space<hbm>>
    %dma_wait3A_214 = arith.constant 0 : i32
    %dma_wait3A_215 = arith.constant 0 : i32
    %dma_wait3A_216 = tpu.memref_slice %arg7[%dma_wait3A_214, %dma_wait3A_215] : memref<1600000x8xf32, #tpu.memory_space<hbm>> -> memref<1000x8xf32, #tpu.memory_space<hbm>>
    %dma_wait3A_217 = arith.constant 0 : i32
    %dma_wait3A_218 = arith.constant 0 : i32
    %dma_wait3A_219 = tpu.memref_slice %arg13[%dma_wait3A_206, %dma_wait3A_217, %dma_wait3A_218] : memref<2x1000x8xf32, #tpu.memory_space<vmem>> -> memref<1x1000x8xf32, #tpu.memory_space<vmem>>
    %dma_wait3A_220 = tpu.memref_squeeze %dma_wait3A_219 : memref<1x1000x8xf32, #tpu.memory_space<vmem>> -> memref<1000x8xf32, #tpu.memory_space<vmem>>
    tpu.wait_dma2 semaphore(%arg21 : memref<!tpu.dma_semaphore, #tpu.memory_space<semaphore_mem>>) src(%dma_wait3A_220 : memref<1000x8xf32, #tpu.memory_space<vmem>>) dst(%dma_wait3A_216 : memref<1000x8xf32, #tpu.memory_space<hbm>>)
    %dma_wait3A_221 = arith.constant 1 : i32
    %dma_wait3A_222 = arith.constant 0 : i32
    %dma_wait3A_223 = arith.constant 0 : i32
    %dma_wait3A_224 = tpu.memref_slice %arg13[%dma_wait3A_221, %dma_wait3A_222, %dma_wait3A_223] : memref<2x1000x8xf32, #tpu.memory_space<vmem>> -> memref<1x1000x8xf32, #tpu.memory_space<vmem>>
    %dma_wait3A_225 = tpu.memref_squeeze %dma_wait3A_224 : memref<1x1000x8xf32, #tpu.memory_space<vmem>> -> memref<1000x8xf32, #tpu.memory_space<vmem>>
    %dma_wait3A_226 = arith.constant 0 : i32
    %dma_wait3A_227 = arith.constant 0 : i32
    %dma_wait3A_228 = tpu.memref_slice %arg7[%dma_wait3A_226, %dma_wait3A_227] : memref<1600000x8xf32, #tpu.memory_space<hbm>> -> memref<1000x8xf32, #tpu.memory_space<hbm>>
    %dma_wait3A_229 = arith.constant 0 : i32
    %dma_wait3A_230 = arith.constant 0 : i32
    %dma_wait3A_231 = tpu.memref_slice %arg7[%dma_wait3A_229, %dma_wait3A_230] : memref<1600000x8xf32, #tpu.memory_space<hbm>> -> memref<1000x8xf32, #tpu.memory_space<hbm>>
    %dma_wait3A_232 = arith.constant 0 : i32
    %dma_wait3A_233 = arith.constant 0 : i32
    %dma_wait3A_234 = tpu.memref_slice %arg13[%dma_wait3A_221, %dma_wait3A_232, %dma_wait3A_233] : memref<2x1000x8xf32, #tpu.memory_space<vmem>> -> memref<1x1000x8xf32, #tpu.memory_space<vmem>>
    %dma_wait3A_235 = tpu.memref_squeeze %dma_wait3A_234 : memref<1x1000x8xf32, #tpu.memory_space<vmem>> -> memref<1000x8xf32, #tpu.memory_space<vmem>>
    tpu.wait_dma2 semaphore(%arg21 : memref<!tpu.dma_semaphore, #tpu.memory_space<semaphore_mem>>) src(%dma_wait3A_235 : memref<1000x8xf32, #tpu.memory_space<vmem>>) dst(%dma_wait3A_231 : memref<1000x8xf32, #tpu.memory_space<hbm>>)
    %dma_wait3A_236 = arith.constant 1 : i32
    %dma_wait3A_237 = arith.constant 0 : i32
    %dma_wait3A_238 = arith.constant 0 : i32
    %dma_wait3A_239 = tpu.memref_slice %arg13[%dma_wait3A_236, %dma_wait3A_237, %dma_wait3A_238] : memref<2x1000x8xf32, #tpu.memory_space<vmem>> -> memref<1x1000x8xf32, #tpu.memory_space<vmem>>
    %dma_wait3A_240 = tpu.memref_squeeze %dma_wait3A_239 : memref<1x1000x8xf32, #tpu.memory_space<vmem>> -> memref<1000x8xf32, #tpu.memory_space<vmem>>
    %dma_wait3A_241 = arith.constant 0 : i32
    %dma_wait3A_242 = arith.constant 0 : i32
    %dma_wait3A_243 = tpu.memref_slice %arg7[%dma_wait3A_241, %dma_wait3A_242] : memref<1600000x8xf32, #tpu.memory_space<hbm>> -> memref<1000x8xf32, #tpu.memory_space<hbm>>
    %dma_wait3A_244 = arith.constant 0 : i32
    %dma_wait3A_245 = arith.constant 0 : i32
    %dma_wait3A_246 = tpu.memref_slice %arg7[%dma_wait3A_244, %dma_wait3A_245] : memref<1600000x8xf32, #tpu.memory_space<hbm>> -> memref<1000x8xf32, #tpu.memory_space<hbm>>
    %dma_wait3A_247 = arith.constant 0 : i32
    %dma_wait3A_248 = arith.constant 0 : i32
    %dma_wait3A_249 = tpu.memref_slice %arg13[%dma_wait3A_236, %dma_wait3A_247, %dma_wait3A_248] : memref<2x1000x8xf32, #tpu.memory_space<vmem>> -> memref<1x1000x8xf32, #tpu.memory_space<vmem>>
    %dma_wait3A_250 = tpu.memref_squeeze %dma_wait3A_249 : memref<1x1000x8xf32, #tpu.memory_space<vmem>> -> memref<1000x8xf32, #tpu.memory_space<vmem>>
    tpu.wait_dma2 semaphore(%arg21 : memref<!tpu.dma_semaphore, #tpu.memory_space<semaphore_mem>>) src(%dma_wait3A_250 : memref<1000x8xf32, #tpu.memory_space<vmem>>) dst(%dma_wait3A_246 : memref<1000x8xf32, #tpu.memory_space<hbm>>)
    return
  }
}

module attributes {stable_mosaic.version = 14 : i64} {
  func.func @_project_nodes_body(%arg0: i32, %arg1: memref<10x2048xf32, #tpu.memory_space<vmem>>, %arg2: memref<5x2048xf32, #tpu.memory_space<vmem>>, %arg3: memref<35x5xf32, #tpu.memory_space<vmem>>, %arg4: memref<2048x8xf32, #tpu.memory_space<vmem>>, %arg5: memref<2048x8xf32, #tpu.memory_space<vmem>>) attributes {dimension_semantics = [#tpu.dimension_semantics<arbitrary>], iteration_bounds = array<i64: 50>, scalar_prefetch = 0 : i64, scratch_operands = 0 : i64, tpu.core_type = #tpu.core_type<tc>, window_params = [{transform_indices = @transform_0, window_bounds = array<i64: 10, 2048>}, {transform_indices = @transform_1, window_bounds = array<i64: 5, 2048>}, {pipeline_mode = #tpu.pipeline_mode<synchronous>, transform_indices = @transform_2, window_bounds = array<i64: 35, 5>}, {transform_indices = @transform_3, window_bounds = array<i64: 2048, 8>}, {transform_indices = @transform_4, window_bounds = array<i64: 2048, 8>}]} {
    %get3A = arith.constant 0 : index
    %get3A_0 = arith.constant 0 : index
    %get3A_1 = vector.load %arg3[%get3A, %get3A_0] : memref<35x5xf32, #tpu.memory_space<vmem>>, vector<35x5xf32>
    %get3A_2 = arith.constant 0 : index
    %get3A_3 = arith.constant 0 : index
    %get3A_4 = vector.load %arg1[%get3A_2, %get3A_3] : memref<10x2048xf32, #tpu.memory_space<vmem>>, vector<10x2048xf32>
    %slice3A = vector.extract_strided_slice %get3A_1 {offsets = [0, 0], sizes = [10, 5], strides = [1, 1]} : vector<35x5xf32> to vector<10x5xf32>
    %dot_general3A = arith.constant dense<0.000000e+00> : vector<2048x5xf32>
    %dot_general3A_5 = tpu.matmul %get3A_4, %slice3A, %dot_general3A {dimension_numbers = #tpu.dot_dimension_numbers<[0], [0], [1], [1], [0, 1, 1, 1], [], []>, transpose_lhs_hint = false} : vector<10x2048xf32>, vector<10x5xf32>, vector<2048x5xf32> -> vector<2048x5xf32>
    %get3A_6 = arith.constant 0 : index
    %get3A_7 = arith.constant 0 : index
    %get3A_8 = vector.load %arg2[%get3A_6, %get3A_7] : memref<5x2048xf32, #tpu.memory_space<vmem>>, vector<5x2048xf32>
    %slice3A_9 = vector.extract_strided_slice %get3A_1 {offsets = [10, 0], sizes = [5, 5], strides = [1, 1]} : vector<35x5xf32> to vector<5x5xf32>
    %dot_general3A_10 = arith.constant dense<0.000000e+00> : vector<2048x5xf32>
    %dot_general3A_11 = tpu.matmul %get3A_8, %slice3A_9, %dot_general3A_10 {dimension_numbers = #tpu.dot_dimension_numbers<[0], [0], [1], [1], [0, 1, 1, 1], [], []>, transpose_lhs_hint = false} : vector<5x2048xf32>, vector<5x5xf32>, vector<2048x5xf32> -> vector<2048x5xf32>
    %broadcast_in_dim3A = arith.constant 0.000000e+00 : f32
    %broadcast_in_dim3A_12 = vector.broadcast %broadcast_in_dim3A : f32 to vector<2048x3xf32>
    %concatenate3A = tpu.concatenate %dot_general3A_5, %broadcast_in_dim3A_12 in 1 : vector<2048x5xf32>, vector<2048x3xf32> -> vector<2048x8xf32>
    %swap3A = arith.constant 0 : index
    %swap3A_13 = arith.constant 0 : index
    %swap3A_14 = vector.load %arg4[%swap3A, %swap3A_13] : memref<2048x8xf32, #tpu.memory_space<vmem>>, vector<2048x8xf32>
    tpu.vector_store %arg4[%swap3A, %swap3A_13], %concatenate3A {strides = array<i32>} : memref<2048x8xf32, #tpu.memory_space<vmem>>, vector<2048x8xf32>,
    %concatenate3A_15 = tpu.concatenate %dot_general3A_11, %broadcast_in_dim3A_12 in 1 : vector<2048x5xf32>, vector<2048x3xf32> -> vector<2048x8xf32>
    %swap3A_16 = arith.constant 0 : index
    %swap3A_17 = arith.constant 0 : index
    %swap3A_18 = vector.load %arg5[%swap3A_16, %swap3A_17] : memref<2048x8xf32, #tpu.memory_space<vmem>>, vector<2048x8xf32>
    tpu.vector_store %arg5[%swap3A_16, %swap3A_17], %concatenate3A_15 {strides = array<i32>} : memref<2048x8xf32, #tpu.memory_space<vmem>>, vector<2048x8xf32>,
    return
  }
  func.func @transform_0(%arg0: i32) -> (i32, i32) {
    %c0_i32 = arith.constant 0 : i32
    %c0_i32_0 = arith.constant 0 : i32
    return %c0_i32, %arg0 : i32, i32
  }
  func.func @transform_1(%arg0: i32) -> (i32, i32) {
    %c0_i32 = arith.constant 0 : i32
    %c0_i32_0 = arith.constant 0 : i32
    return %c0_i32, %arg0 : i32, i32
  }
  func.func @transform_2(%arg0: i32) -> (i32, i32) {
    %c0_i32 = arith.constant 0 : i32
    %c0_i32_0 = arith.constant 0 : i32
    %c0_i32_1 = arith.constant 0 : i32
    return %c0_i32, %c0_i32_0 : i32, i32
  }
  func.func @transform_3(%arg0: i32) -> (i32, i32) {
    %c0_i32 = arith.constant 0 : i32
    %c0_i32_0 = arith.constant 0 : i32
    return %arg0, %c0_i32 : i32, i32
  }
  func.func @transform_4(%arg0: i32) -> (i32, i32) {
    %c0_i32 = arith.constant 0 : i32
    %c0_i32_0 = arith.constant 0 : i32
    return %arg0, %c0_i32 : i32, i32
  }
}

module attributes {stable_mosaic.version = 14 : i64} {
  func.func @_project_globals_body(%arg0: memref<10x1024xf32, #tpu.memory_space<vmem>>, %arg1: memref<35x5xf32, #tpu.memory_space<vmem>>, %arg2: memref<1x5xf32, #tpu.memory_space<vmem>>, %arg3: memref<1024x8xf32, #tpu.memory_space<vmem>>) attributes {dimension_semantics = [], scalar_prefetch = 0 : i64, scratch_operands = 0 : i64, tpu.core_type = #tpu.core_type<tc>} {
    %get3A = arith.constant 0 : index
    %get3A_0 = arith.constant 0 : index
    %get3A_1 = vector.load %arg1[%get3A, %get3A_0] : memref<35x5xf32, #tpu.memory_space<vmem>>, vector<35x5xf32>
    %get3A_2 = arith.constant 0 : index
    %get3A_3 = arith.constant 0 : index
    %get3A_4 = vector.load %arg0[%get3A_2, %get3A_3] : memref<10x1024xf32, #tpu.memory_space<vmem>>, vector<10x1024xf32>
    %slice3A = vector.extract_strided_slice %get3A_1 {offsets = [25, 0], sizes = [10, 5], strides = [1, 1]} : vector<35x5xf32> to vector<10x5xf32>
    %dot_general3A = arith.constant dense<0.000000e+00> : vector<1024x5xf32>
    %dot_general3A_5 = tpu.matmul %get3A_4, %slice3A, %dot_general3A {dimension_numbers = #tpu.dot_dimension_numbers<[0], [0], [1], [1], [0, 1, 1, 1], [], []>, transpose_lhs_hint = false} : vector<10x1024xf32>, vector<10x5xf32>, vector<1024x5xf32> -> vector<1024x5xf32>
    %get3A_6 = arith.constant 0 : index
    %get3A_7 = arith.constant 0 : index
    %get3A_8 = vector.load %arg2[%get3A_6, %get3A_7] : memref<1x5xf32, #tpu.memory_space<vmem>>, vector<1x5xf32>
    %add3A = vector.broadcast %get3A_8 : vector<1x5xf32> to vector<1024x5xf32>
    %add3A_9 = arith.addf %dot_general3A_5, %add3A : vector<1024x5xf32>
    %broadcast_in_dim3A = arith.constant 0.000000e+00 : f32
    %broadcast_in_dim3A_10 = vector.broadcast %broadcast_in_dim3A : f32 to vector<1024x3xf32>
    %concatenate3A = tpu.concatenate %add3A_9, %broadcast_in_dim3A_10 in 1 : vector<1024x5xf32>, vector<1024x3xf32> -> vector<1024x8xf32>
    %swap3A = arith.constant 0 : index
    %swap3A_11 = arith.constant 0 : index
    %swap3A_12 = vector.load %arg3[%swap3A, %swap3A_11] : memref<1024x8xf32, #tpu.memory_space<vmem>>, vector<1024x8xf32>
    tpu.vector_store %arg3[%swap3A, %swap3A_11], %concatenate3A {strides = array<i32>} : memref<1024x8xf32, #tpu.memory_space<vmem>>, vector<1024x8xf32>,
    return
  }
}

module attributes {stable_mosaic.version = 14 : i64} {
  func.func @_epilogue_body(%arg0: i32, %arg1: memref<512000xf32, #tpu.memory_space<vmem>>, %arg2: memref<512000xf32, #tpu.memory_space<vmem>>, %arg3: memref<512000xf32, #tpu.memory_space<vmem>>, %arg4: memref<1000x640xf32, #tpu.memory_space<vmem>>, %arg5: memref<512x320xf32, #tpu.memory_space<vmem>>, %arg6: memref<640x320xf32, #tpu.memory_space<vmem>>, %arg7: memref<320x320xf32, #tpu.memory_space<vmem>>, %arg8: memref<1x320xf32, #tpu.memory_space<vmem>>, %arg9: memref<1000x320xf32, #tpu.memory_space<vmem>>) attributes {dimension_semantics = [#tpu.dimension_semantics<arbitrary>], iteration_bounds = array<i64: 25>, scalar_prefetch = 0 : i64, scratch_operands = 0 : i64, tpu.core_type = #tpu.core_type<tc>, window_params = [{transform_indices = @transform_0, window_bounds = array<i64: 512000>}, {transform_indices = @transform_1, window_bounds = array<i64: 512000>}, {transform_indices = @transform_2, window_bounds = array<i64: 512000>}, {transform_indices = @transform_3, window_bounds = array<i64: 1000, 640>}, {pipeline_mode = #tpu.pipeline_mode<synchronous>, transform_indices = @transform_4, window_bounds = array<i64: 512, 320>}, {pipeline_mode = #tpu.pipeline_mode<synchronous>, transform_indices = @transform_5, window_bounds = array<i64: 640, 320>}, {pipeline_mode = #tpu.pipeline_mode<synchronous>, transform_indices = @transform_6, window_bounds = array<i64: 320, 320>}, {pipeline_mode = #tpu.pipeline_mode<synchronous>, transform_indices = @transform_7, window_bounds = array<i64: 1, 320>}, {transform_indices = @transform_8, window_bounds = array<i64: 1000, 320>}]} {
    %get3A = arith.constant 0 : index
    %get3A_0 = vector.load %arg1[%get3A] : memref<512000xf32, #tpu.memory_space<vmem>>, vector<512000xf32>
    %get3A_1 = arith.constant 0 : index
    %get3A_2 = vector.load %arg2[%get3A_1] : memref<512000xf32, #tpu.memory_space<vmem>>, vector<512000xf32>
    %add3A = arith.addf %get3A_0, %get3A_2 : vector<512000xf32>
    %get3A_3 = arith.constant 0 : index
    %get3A_4 = vector.load %arg3[%get3A_3] : memref<512000xf32, #tpu.memory_space<vmem>>, vector<512000xf32>
    %add3A_5 = arith.addf %add3A, %get3A_4 : vector<512000xf32>
    %reshape3A = vector.shape_cast %add3A_5 : vector<512000xf32> to vector<1000x512xf32>
    %get3A_6 = arith.constant 0 : index
    %get3A_7 = arith.constant 0 : index
    %get3A_8 = vector.load %arg5[%get3A_6, %get3A_7] : memref<512x320xf32, #tpu.memory_space<vmem>>, vector<512x320xf32>
    %dot_general3A = arith.constant dense<0.000000e+00> : vector<1000x320xf32>
    %dot_general3A_9 = tpu.matmul %reshape3A, %get3A_8, %dot_general3A {dimension_numbers = #tpu.dot_dimension_numbers<[1], [0], [0], [1], [0, 0, 1, 1], [], []>, transpose_lhs_hint = false} : vector<1000x512xf32>, vector<512x320xf32>, vector<1000x320xf32> -> vector<1000x320xf32>
    %get3A_10 = arith.constant 0 : index
    %get3A_11 = arith.constant 0 : index
    %get3A_12 = vector.load %arg4[%get3A_10, %get3A_11] : memref<1000x640xf32, #tpu.memory_space<vmem>>, vector<1000x640xf32>
    %get3A_13 = arith.constant 0 : index
    %get3A_14 = arith.constant 0 : index
    %get3A_15 = vector.load %arg6[%get3A_13, %get3A_14] : memref<640x320xf32, #tpu.memory_space<vmem>>, vector<640x320xf32>
    %dot_general3A_16 = arith.constant dense<0.000000e+00> : vector<1000x320xf32>
    %dot_general3A_17 = tpu.matmul %get3A_12, %get3A_15, %dot_general3A_16 {dimension_numbers = #tpu.dot_dimension_numbers<[1], [0], [0], [1], [0, 0, 1, 1], [], []>, transpose_lhs_hint = false} : vector<1000x640xf32>, vector<640x320xf32>, vector<1000x320xf32> -> vector<1000x320xf32>
    %add3A_18 = arith.addf %dot_general3A_9, %dot_general3A_17 : vector<1000x320xf32>
    %gt3A = arith.constant 0.000000e+00 : f32
    %gt3A_19 = vector.broadcast %gt3A : f32 to vector<1000x320xf32>
    %gt3A_20 = arith.cmpf ogt, %add3A_18, %gt3A_19 : vector<1000x320xf32>
    %mul3A = arith.constant 1.000000e-01 : f32
    %mul3A_21 = vector.broadcast %mul3A : f32 to vector<1000x320xf32>
    %mul3A_22 = arith.mulf %mul3A_21, %add3A_18 : vector<1000x320xf32>
    %select_n3A = arith.select %gt3A_20, %add3A_18, %mul3A_22 : vector<1000x320xi1>, vector<1000x320xf32>
    %get3A_23 = arith.constant 0 : index
    %get3A_24 = arith.constant 0 : index
    %get3A_25 = vector.load %arg7[%get3A_23, %get3A_24] : memref<320x320xf32, #tpu.memory_space<vmem>>, vector<320x320xf32>
    %dot_general3A_26 = arith.constant dense<0.000000e+00> : vector<1000x320xf32>
    %dot_general3A_27 = tpu.matmul %select_n3A, %get3A_25, %dot_general3A_26 {dimension_numbers = #tpu.dot_dimension_numbers<[1], [0], [0], [1], [0, 0, 1, 1], [], []>, transpose_lhs_hint = false} : vector<1000x320xf32>, vector<320x320xf32>, vector<1000x320xf32> -> vector<1000x320xf32>
    %get3A_28 = arith.constant 0 : index
    %get3A_29 = arith.constant 0 : index
    %get3A_30 = vector.load %arg8[%get3A_28, %get3A_29] : memref<1x320xf32, #tpu.memory_space<vmem>>, vector<1x320xf32>
    %add3A_31 = vector.broadcast %get3A_30 : vector<1x320xf32> to vector<1000x320xf32>
    %add3A_32 = arith.addf %dot_general3A_27, %add3A_31 : vector<1000x320xf32>
    %swap3A = arith.constant 0 : index
    %swap3A_33 = arith.constant 0 : index
    %swap3A_34 = vector.load %arg9[%swap3A, %swap3A_33] : memref<1000x320xf32, #tpu.memory_space<vmem>>, vector<1000x320xf32>
    tpu.vector_store %arg9[%swap3A, %swap3A_33], %add3A_32 {strides = array<i32>} : memref<1000x320xf32, #tpu.memory_space<vmem>>, vector<1000x320xf32>,
    return
  }
  func.func @transform_0(%arg0: i32) -> i32 {
    %c0_i32 = arith.constant 0 : i32
    return %arg0 : i32
  }
  func.func @transform_1(%arg0: i32) -> i32 {
    %c0_i32 = arith.constant 0 : i32
    return %arg0 : i32
  }
  func.func @transform_2(%arg0: i32) -> i32 {
    %c0_i32 = arith.constant 0 : i32
    return %arg0 : i32
  }
  func.func @transform_3(%arg0: i32) -> (i32, i32) {
    %c0_i32 = arith.constant 0 : i32
    %c0_i32_0 = arith.constant 0 : i32
    return %arg0, %c0_i32 : i32, i32
  }
  func.func @transform_4(%arg0: i32) -> (i32, i32) {
    %c0_i32 = arith.constant 0 : i32
    %c0_i32_0 = arith.constant 0 : i32
    %c0_i32_1 = arith.constant 0 : i32
    return %c0_i32, %c0_i32_0 : i32, i32
  }
  func.func @transform_5(%arg0: i32) -> (i32, i32) {
    %c0_i32 = arith.constant 0 : i32
    %c0_i32_0 = arith.constant 0 : i32
    %c0_i32_1 = arith.constant 0 : i32
    return %c0_i32, %c0_i32_0 : i32, i32
  }
  func.func @transform_6(%arg0: i32) -> (i32, i32) {
    %c0_i32 = arith.constant 0 : i32
    %c0_i32_0 = arith.constant 0 : i32
    %c0_i32_1 = arith.constant 0 : i32
    return %c0_i32, %c0_i32_0 : i32, i32
  }
  func.func @transform_7(%arg0: i32) -> (i32, i32) {
    %c0_i32 = arith.constant 0 : i32
    %c0_i32_0 = arith.constant 0 : i32
    %c0_i32_1 = arith.constant 0 : i32
    return %c0_i32, %c0_i32_0 : i32, i32
  }
  func.func @transform_8(%arg0: i32) -> (i32, i32) {
    %c0_i32 = arith.constant 0 : i32
    %c0_i32_0 = arith.constant 0 : i32
    return %arg0, %c0_i32 : i32, i32
  }
}

</mosaic_0001>

<sc_bundles>
// kernel: kernel.6.cloned.1.call-start
scs
__scs_entry_jumppad:
0x0: {  	(pc) =	sbr.rel $0x88, $3  }
0x1: {  	(tag) =	ssettag $0x0;
	lr =	simm.s32 $0x1  }
0x2: {  	[smem:$0x3F97] =	sst lr;
	_ =	strace $0xD0000000  }
0x3: {  	_ = 	snop  }
0x4: {  	_ = 	snop  }
0x5: {  	_ = 	snop  }
0x6: {  	_ = 	snop  }
0x7: {  	_ = 	snop  }
__scs_overlays_trampoline_lowered:
0x8: {  	[smem:$0x3FA6] =	sst s0  }
0x9: {  	[smem:$0x3FA7] =	sst s1  }
0xa: {  	[smem:$0x3FA8] =	sst s2  }
0xb: {  	[smem:$0x3FA9] =	sst s3  }
0xc: {  	[smem:$0x3FAA] =	sst s4  }
0xd: {  	[smem:$0x3FAB] =	sst s5  }
0xe: {  	[smem:$0x3FAC] =	sst s6  }
0xf: {  	[smem:$0x3FAD] =	sst s7  }
0x10: {  	[smem:$0x3FAE] =	sst s8  }
0x11: {  	[smem:$0x3FAF] =	sst s9;
	s0 =	simm.s32 @!p0 $0x0  }
0x12: {  	s1 =	sld [smem:$0x3F95];
	s0 =	simm.s32 @p0 $0x1  }
0x13: {  	[smem:$0x3FB0] =	sst s0;
	s0 =	simm.s32 @!p1 $0x0  }
0x14: {  	s2 =	sld [smem:$0x3F94];
	s0 =	simm.s32 @p1 $0x1  }
0x15: {  	[smem:$0x3FB1] =	sst s0;
	s0 =	simm.s32 @!p2 $0x0  }
0x16: {  	s3 =	sld [smem:$0x3FDB];
	s0 =	simm.s32 @p2 $0x1  }
0x17: {  	s4 =	simm.s32 $0x1BF5;
	[smem:$0x3FB3] =	sst s0  }
0x18: {  	s0 =	sld [smem:$0x3F96];
	_ =	swait.ge [sflag:s4], $0x0  }
0x19: {  	s7 =	sld [smem:$0x3F97]  }
0x1a: {  	s8 =	sadd.s32 $0xFFFFE003, lr  }
0x1b: {  	s9 =	sadd.s32 $0xFFFFFEF7, lr;
	s5 =	simm.s32 $0xFFFFFFFF;
	p2 =	slt.u32 s8, $0xFFFFF086  }
0x1c: {  	p1 =	slt.u32 s9, $0xF7A;
	s5 =	simm.s32 @!p2 $0x0  }
0x1d: {  	s5 =	simm.s32 @p1 $0x1;
	p0 =	seq.s32 s7, s2  }
0x1e: {  	s7 =	smul.u32 @!p0 $0xF7A, s2;
	p2 =	seq.s32 @!p0 s5, $0x0  }
0x1f: {  	s9 =	smul.u32 $0xF7A, s1;
	s8 =	simm.s32 @!p0 $0x1BF5;
	p2 =	por !p2, p0  }
0x20: {  	[sflag:s8] =	ssyncset.s32 @!p0 $0xFFFFF086;
	s6 =	sadd.s32 @!p0 s3, s7;
	s7 =	simm.s32 @!p0 $0x108  }
0x21: {  	s3 =	sadd.s32 s3, s9;
	s6 =	sadd.s32 @!p0 $0x88, s6;
	s7 =	simm.s32 @p2 $0x1082  }
0x22: {  	[simem:s7], [sflag:s8] =	dma.local @!p0 [hbm:s6], $0xF7A  }
0x23: {  	s9 =	sor.u32 $0xD0000000, s2;
	s6 =	simm.s32 $0x108;
	_ =	swait.ge @!p0 [sflag:s8], $0x0  }
0x24: {  	s3 =	sadd.s32 $0x88, s3;
	s6 =	simm.s32 @!p1 $0x1082;
	[sflag:s4] =	ssyncset.s32 $0xFFFFF086  }
0x25: {  	[simem:s6], [sflag:s4] =	dma.local [hbm:s3], $0xF7A  }
0x26: {  	[smem:$0x3F97] =	sst s1;
	(tag) =	ssettag s2;
	_ =	strace s9  }
0x27: {  	s1 =	sld [smem:$0x3FA7]  }
0x28: {  	s2 =	sld [smem:$0x3FA8]  }
0x29: {  	s4 =	sld [smem:$0x3FAA]  }
0x2a: {  	p0 =	seq.s32 s5, $0x0;
	s5 =	sld [smem:$0x3FAB]  }
0x2b: {  	s6 =	sld [smem:$0x3FAC]  }
0x2c: {  	s7 =	sld [smem:$0x3FAD]  }
0x2d: {  	s3 =	simm.s32 $0x108;
	s8 =	sld [smem:$0x3FAE]  }
0x2e: {  	s3 =	simm.s32 @!p0 $0x1082;
	s9 =	sld [smem:$0x3FAF]  }
0x2f: {  	lr =	sadd.s32 s0, s3;
	s0 =	sld [smem:$0x3FA6]  }
0x30: {  	s3 =	sld [smem:$0x3FA9]  }
0x31: {  	[smem:$0x3FB2] =	sst s10  }
0x32: {  	s10 =	sld [smem:$0x3FB0];
	_ =	sdelay $0x3  }
0x33: {  	p0 =	seq.s32 s10, $0x1;
	s10 =	sld [smem:$0x3FB2];
	_ =	sdelay $0x3  }
0x34: {  	[smem:$0x3FB2] =	sst s10  }
0x35: {  	s10 =	sld [smem:$0x3FB1];
	_ =	sdelay $0x3  }
0x36: {  	p1 =	seq.s32 s10, $0x1;
	s10 =	sld [smem:$0x3FB2];
	_ =	sdelay $0x3  }
0x37: {  	[smem:$0x3FB2] =	sst s10  }
0x38: {  	s10 =	sld [smem:$0x3FB3]  }
0x39: {  	_ = 	snop;
	(pc) =	sbr.ind lr, $3  }
0x3a: {  	_ = 	snop  }
0x3b: {  	_ = 	snop  }
0x3c: {  	p2 =	seq.s32 s10, $0x1;
	s10 =	sld [smem:$0x3FB2]  }
0x3d: {  	_ =	shalt  }
0x3e: {  	_ =	shalt  }
0x3f: {  	_ =	shalt  }
0x40: {  	_ =	shalt  }
0x41: {  	_ =	shalt  }
0x42: {  	_ =	shalt  }
0x43: {  	_ =	shalt  }
0x44: {  	_ =	shalt  }
0x45: {  	_ =	shalt  }
0x46: {  	_ =	shalt  }
0x47: {  	_ =	shalt  }
0x48: {  	_ =	shalt  }
0x49: {  	_ =	shalt  }
0x4a: {  	_ =	shalt  }
0x4b: {  	_ =	shalt  }
0x4c: {  	_ =	shalt  }
0x4d: {  	_ =	shalt  }
0x4e: {  	_ =	shalt  }
0x4f: {  	_ =	shalt  }
0x50: {  	_ =	shalt  }
0x51: {  	_ =	shalt  }
0x52: {  	_ =	shalt  }
0x53: {  	_ =	shalt  }
0x54: {  	_ =	shalt  }
0x55: {  	_ =	shalt  }
0x56: {  	_ =	shalt  }
0x57: {  	_ =	shalt  }
0x58: {  	_ =	shalt  }
0x59: {  	_ =	shalt  }
0x5a: {  	_ =	shalt  }
0x5b: {  	_ =	shalt  }
0x5c: {  	_ =	shalt  }
0x5d: {  	_ =	shalt  }
0x5e: {  	_ =	shalt  }
0x5f: {  	_ =	shalt  }
0x60: {  	_ =	shalt  }
0x61: {  	_ =	shalt  }
0x62: {  	_ =	shalt  }
0x63: {  	_ =	shalt  }
0x64: {  	_ =	shalt  }
0x65: {  	_ =	shalt  }
0x66: {  	_ =	shalt  }
0x67: {  	_ =	shalt  }
0x68: {  	_ =	shalt  }
0x69: {  	_ =	shalt  }
0x6a: {  	_ =	shalt  }
0x6b: {  	_ =	shalt  }
0x6c: {  	_ =	shalt  }
0x6d: {  	_ =	shalt  }
0x6e: {  	_ =	shalt  }
0x6f: {  	_ =	shalt  }
0x70: {  	_ =	shalt  }
0x71: {  	_ =	shalt  }
0x72: {  	_ =	shalt  }
0x73: {  	_ =	shalt  }
0x74: {  	_ =	shalt  }
0x75: {  	_ =	shalt  }
0x76: {  	_ =	shalt  }
0x77: {  	_ =	shalt  }
0x78: {  	_ =	shalt  }
0x79: {  	_ =	shalt  }
0x7a: {  	_ =	shalt  }
0x7b: {  	_ =	shalt  }
0x7c: {  	_ =	shalt  }
0x7d: {  	_ =	shalt  }
0x7e: {  	_ =	shalt  }
0x7f: {  	_ =	shalt  }
0x80: {  	_ =	shalt  }
0x81: {  	_ =	shalt  }
0x82: {  	_ =	shalt  }
0x83: {  	_ =	shalt  }
0x84: {  	_ =	shalt  }
0x85: {  	_ =	shalt  }
0x86: {  	_ =	shalt  }
0x87: {  	_ =	shalt  }
.Lfunc_end0:
.L_simem_size_0:
called_computation_lowered:
.L_overlay_start_0:
0x88: {  	s2 =	sld [smem:$0x3FD9]  }
0x89: {  	s3 =	sld [smem:$0x3FFE];
	_ =	sdelay $0x1  }
0x8a: {  	s1 =	srdreg.scid  }
0x8b: {  	s0 =	sand.u32 $0x1, s1  }
0x8c: {  	s17 =	sshll.u32 s0, $0xA;
	s2 =	sadd.s32 s3, s2  }
0x8d: {  	s2 =	sadd.s32 s2, s17  }
0x8e: {  	[smem:$0x3FBE] =	sst s2  }
0x8f: {  	_ = 	snop  }
0x90: {  	s2 =	sld [smem:$0x3FC4]  }
0x91: {  	s18 =	sld [smem:$0x3FD0];
	(tm) =	ssettm $0x1  }
0x92: {  	s4 =	sld [smem:$0x3FFB];
	_ =	sdelay $0x3  }
0x93: {  	_ =	strace s4  }
0x94: {  	s4 =	sld [smem:$0x3FFC];
	_ =	sdelay $0x3  }
0x95: {  	_ =	strace s4  }
0x96: {  	s4 =	sld [smem:$0x3FFD];
	_ =	sdelay $0x3  }
0x97: {  	_ =	strace s4  }
0x98: {  	_ =	strace $0x8FFFFFFF  }
0x99: {  	s19 =	sld [smem:$0x3FDB];
	_ =	sdelay $0x1  }
0x9a: {  	s5 =	simm.s32 $_scs_section_size  }
0x9b: {  	s6 =	simm.s32 $_size__tile_overlayer_lowered;
	s7 =	simm.s32 $_tile_overlayer_lowered  }
0x9c: {  	s22 =	simm.s32 $0x1BFF;
	s21 =	sshll.u32 s7, $0x1;
	s4 =	sadd.s32 s5, s19  }
0x9d: {  	s8 =	simm.s32 $0x0;
	s20 =	sshll.u32 s6, $0x1;
	s6 =	sadd.s32 s21, s4  }
0x9e: {  	[timem:s8], [sflag:s22] =	dma.local [hbm:s6], s20  }
0x9f: {  	_ =	swait.ge [sflag:s22], s20  }
0xa0: {  	s5 =	ssub.s32 $0x0, s20;
	[sflag:s22] =	ssyncset.done $0x0  }
0xa1: {  	[sflag:s22] =	ssyncadd.s32 s5;
	_ =	sdelay $0x1  }
0xa2: {  	s23 =	simm.s32 $0x1B8B  }
0xa3: {  	_ =	swait.ge [sflag:s23], $0x1  }
0xa4: {  	[sflag:s23] =	ssyncset.done $0x0  }
0xa5: {  	s25 =	simm.s32 $0x1B8E;
	s24 =	sld [smem:$0x3FFE];
	[sflag:s23] =	ssyncadd.s32 $0xFFFFFFFF  }
0xa6: {  	s26 =	simm.s32 $execute0_lowered;
	[smem:$0x3FD2] =	sst s25  }
0xa7: {  	s6 =	sshll.u32 s26, $0x1;
	_ =	strace $0x80000046;
	[dreg:$0x1] =	wrdreg $0xFFFFFFFF  }
0xa8: {  	s28 =	simm.s32 $_size_execute0_lowered;
	s4 =	sadd.s32 s4, s6;
	[dreg:$0x0] =	wrdreg $0x0  }
0xa9: {  	s6 =	sshll.u32 s28, $0x1;
	[dreg:$0x2] =	wrdreg s4  }
0xaa: {  	[dreg:$0x3] =	wrdreg s6  }
0xab: {  	[dreg:$0x4] =	wrdreg $0xC0  }
0xac: {  	_ =	task [dreg:s8], $0x5FFFF  }
0xad: {  	[dreg:$0x1] =	wrdreg $0xFFFFFFFF  }
0xae: {  	[dreg:$0x0] =	wrdreg $0x60  }
0xaf: {  	[dreg:$0x2] =	wrdreg s24  }
0xb0: {  	[dreg:$0x3] =	wrdreg s2  }
0xb1: {  	[dreg:$0x4] =	wrdreg s18  }
0xb2: {  	[dreg:$0x5] =	wrdreg $0x9  }
0xb3: {  	_ =	task.clear_ibuf [dreg:s8], $0x6FFFF;
	_ =	strace $0x90000046  }
0xb4: {  	s29 =	simm.s32 $0x9;
	_ =	strace $0x80000048  }
0xb5: {  	_ =	swait.ge [sflag:s29], $0x1  }
0xb6: {  	[sflag:s29] =	ssyncadd.s32 $0xFFFFFFFF  }
0xb7: {  	_ =	strace $0x90000048  }
0xb8: {  	_ =	sfence  }
0xb9: {  	s30 =	sld [smem:$0x0];
	_ =	sdelay $0x2  }
0xba: {  	s31 =	sshll.u32 s1, $0xD;
	s1 =	sshrl.u32 s1, $0x2  }
0xbb: {  	s3 =	sand.u32 $0x4000, s31;
	s1 =	sadd.s32 s1, s30  }
0xbc: {  	s0 =	sor.u32 s3, s0;
	s1 =	sshll.u32 s1, $0x11  }
0xbd: {  	s0 =	sor.u32 s1, s0  }
0xbe: {  	s0 =	sadd.s32 $0x8F2B, s0  }
0xbf: {  	[sflag:s0] =	ssyncadd.remote.s32 $0x1  }
0xc0: {  	_ =	sfence.sel $0xFFFF  }
0xc1: {  	[dreg:$0x0] =	wrdreg $0xFFFFFFFF;
	(pc) =	sbr.abs _section_cstart, $3  }
0xc2: {  	[dreg:$0x1] =	wrdreg $0xFFFFFFFF  }
0xc3: {  	_ =	task.clear_ibuf [dreg:s8], $0x2FFFF;
	_ =	strace $0x9FFFFFFF  }
0xc4: {  	(tm) =	ssettm $0x7FFFFFFF  }
0xc5: {  	_ =	shalt  }
tec
execute0_lowered:
.L_overlay_start_1:
0x0: {  	(tag) =	ssettag $0x1  }
0x1: {  	s0 =	rddreg [dreg:$0x0]  }
0x2: {  	s3 =	rddreg [dreg:$0x1]  }
0x3: {  	s15 =	rddreg [dreg:$0x2]  }
0x4: {  	s4 =	simm.s32 $0x0;
	s1 =	srdreg.scid;
	s14 =	stileid.u32  }
0x5: {  	[smem:$0x7FF] =	sst s4;
	s1 =	sand.u32 $0x1, s1;
	s2 =	sshll.u32 s14, $0x1  }
0x6: {  	s5 =	sadd.s32 $0x322800, s0;
	s6 =	sadd.s32 $0x2800, s0;
	s7 =	sadd.s32 $0x1B800, s0  }
0x7: {  	s8 =	sadd.s32 $0x1BC00, s0;
	s2 =	sor.u32 s1, s2;
	s12 =	ssub.s32 $0x2, s1  }
0x8: {  	s9 =	sadd.s32 $0x7D800, s0;
	s11 =	smul.u32 $0xC350, s2;
	s26 =	sshrl.u32 s12, $0x1  }
0x9: {  	s10 =	sadd.s32 $0x33B800, s0;
	_ =	strace $0x80000047;
	s0 =	ssub.s32 s12, s26  }
0xa: {  	s2 =	smul.u32 $0x61A80, s2;
	s13 =	sshrl.u32 s11, $0x3;
	s0 =	smax.u32 s0, $0x1  }
0xb: {  	s31 =	sadd.s32 $0x3E8, s11;
	s16 =	sadd.s32 s8, s13;
	[dreg:$0xd] =	wrdreg s0  }
0xc: {  	s11 =	sadd.s32 $0x186DE8, s11;
	s13 =	sadd.s32 s3, s13;
	[dreg:$0x4] =	wrdreg s16  }
0xd: {  	s12 =	sshrl.u32 s31, $0x3;
	s30 =	sadd.s32 $0x30D40, s16;
	[dreg:$0x6] =	wrdreg s13  }
0xe: {  	s11 =	sshrl.u32 s11, $0x3;
	s16 =	sadd.s32 s8, s12;
	[dreg:$0x5] =	wrdreg s30  }
0xf: {  	s2 =	sshrl.u32 s2, $0x3;
	s11 =	sadd.s32 s8, s11;
	[dreg:$0x7] =	wrdreg s16  }
0x10: {  	s2 =	sadd.s32 $0xBF68, s2;
	s18 =	sadd.s32 s3, s12;
	[dreg:$0x8] =	wrdreg s11  }
0x11: {  	s17 =	smul.u32 $0x186A0, s14;
	s19 =	sadd.s32 s15, s2;
	[dreg:$0x9] =	wrdreg s18  }
0x12: {  	s1 =	smul.u32 $0xC350, s1;
	s20 =	sadd.s32 s9, s2;
	[dreg:$0xa] =	wrdreg s19  }
0x13: {  	s14 =	simm.s32 $0x2;
	s21 =	sadd.s32 s10, s2;
	[dreg:$0xb] =	wrdreg s20  }
0x14: {  	s13 =	simm.s32 $0x1;
	s19 =	sadd.s32 s1, s17;
	[dreg:$0xc] =	wrdreg s21  }
0x15: {  	s11 =	simm.s32 $0x36B0;
	s16 =	simm.s32 $0xB3B0;
	s17 =	simm.s32 $0x3  }
0x16: {  	s18 =	simm.s32 $0x1770;
	s20 =	simm.s32 $0x55F0;
	s22 =	sadd.s32 $0x1871D0, s19  }
0x17: {  	s21 =	simm.s32 $0x9470;
	s23 =	sadd.s32 $0x186DE8, s19;
	s24 =	sadd.s32 $0x3E8, s19  }
0x18: {  	s28 =	sadd.s32 s9, s19;
	s29 =	sadd.s32 s10, s19;
	s0 =	sshrl.u32 s22, $0x3  }
.Ltmp0:
0x19: {  	s26 =	sshrl.u32 s24, $0x3;
	s0 =	sadd.s32 s0, s8;
	(pc) =	sbr.rel .LBB2_1-.Ltmp0, $4  }
0x1a: {  	s25 =	sshrl.u32 s23, $0x3;
	s30 =	sadd.s32 s26, s3;
	[dreg:$0xe] =	wrdreg s0  }
0x1b: {  	s31 =	sadd.s32 s26, s8;
	s26 =	sadd.s32 s15, s19;
	[dreg:$0x10] =	wrdreg s30  }
0x1c: {  	s15 =	simm.s32 $0x7530;
	s0 =	sadd.s32 s25, s8;
	[dreg:$0x11] =	wrdreg s31  }
0x1d: {  	s3 =	simm.s32 $0x0;
	[dreg:$0xf] =	wrdreg s0;
	s0 =	simm.s32 $0x3E8  }
.LBB2_4:
0x1e: {  	s1 =	simm.s32 $0x4  }
0x1f: {  	_ =	swait.ge [sflag:s1], $0x1F40  }
0x20: {  	[sflag:s1] =	ssyncset.done $0x0  }
0x21: {  	[sflag:s1] =	ssyncadd.s32 $0xFFFFE0C0  }
0x22: {  	_ =	swait.ge [sflag:s1], $0x1F40  }
0x23: {  	[sflag:s1] =	ssyncset.done $0x0  }
0x24: {  	[sflag:s1] =	ssyncadd.s32 $0xFFFFE0C0  }
0x25: {  	_ =	swait.ge [sflag:s1], $0x1F40  }
0x26: {  	[sflag:s1] =	ssyncset.done $0x0  }
0x27: {  	s23 =	rddreg [dreg:$0xa];
	[sflag:s1] =	ssyncadd.s32 $0xFFFFE0C0  }
0x28: {  	[hbm4b:s23+s4] =	stream.linear.scatter [tilespmem:s11], [sflag:$0x6], $0x1F40, $0x38;
	[tilespmem:$0xD2F0] =	vst v63  }
0x29: {  	s24 =	rddreg [dreg:$0xb]  }
0x2a: {  	[hbm4b:s24+s4] =	stream.linear.scatter [tilespmem:s15], [sflag:$0x6], $0x1F40, $0x38;
	[tilespmem:$0xD2F0] =	vst v63  }
0x2b: {  	s30 =	simm.s32 $0x5;
	s25 =	rddreg [dreg:$0xc]  }
0x2c: {  	[hbm4b:s25+s4] =	stream.linear.scatter [tilespmem:s16], [sflag:$0x6], $0x1F40, $0x38;
	[tilespmem:$0xD2F0] =	vst v63  }
0x2d: {  	_ =	swait.ge [sflag:s30], $0x1F40  }
0x2e: {  	[sflag:s30] =	ssyncset.done $0x0  }
0x2f: {  	[sflag:s30] =	ssyncadd.s32 $0xFFFFE0C0  }
0x30: {  	_ =	swait.ge [sflag:s30], $0x1F40  }
0x31: {  	[sflag:s30] =	ssyncset.done $0x0  }
0x32: {  	[sflag:s30] =	ssyncadd.s32 $0xFFFFE0C0  }
0x33: {  	_ =	swait.ge [sflag:s30], $0x1F40  }
0x34: {  	[sflag:s30] =	ssyncset.done $0x0  }
0x35: {  	s2 =	simm.s32 $0x6;
	[sflag:s30] =	ssyncadd.s32 $0xFFFFE0C0  }
0x36: {  	_ =	swait.ge [sflag:s2], $0x1F40  }
0x37: {  	[sflag:s2] =	ssyncset.done $0x0  }
0x38: {  	[sflag:s2] =	ssyncadd.s32 $0xFFFFE0C0  }
0x39: {  	_ =	swait.ge [sflag:s2], $0x1F40  }
0x3a: {  	[sflag:s2] =	ssyncset.done $0x0  }
0x3b: {  	[sflag:s2] =	ssyncadd.s32 $0xFFFFE0C0  }
0x3c: {  	_ =	swait.ge [sflag:s2], $0x1F40  }
0x3d: {  	s3 =	rddreg [dreg:$0x12]  }
0x3e: {  	s31 =	rddreg [dreg:$0xd];
	s3 =	sadd.s32 $0x1, s3  }
0x3f: {  	p0 =	sne.s32 s3, s31  }
.Ltmp1:
0x40: {  	_ = 	snop;
	(pc) =	sbr.rel @!p0 .LBB2_5-.Ltmp1, $3  }
0x41: {  	_ =	sdelay $0x1  }
0x42: {  	[sflag:s2] =	ssyncset.done $0x0  }
0x43: {  	[sflag:s2] =	ssyncadd.s32 $0xFFFFE0C0  }
.LBB2_1:
0x44: {  	[dreg:$0x12] =	wrdreg s3  }
0x45: {  	s1 =	rddreg [dreg:$0x4]  }
0x46: {  	s3 =	rddreg [dreg:$0x5]  }
0x47: {  	s12 =	rddreg [dreg:$0x6]  }
0x48: {  	s23 =	rddreg [dreg:$0x7]  }
0x49: {  	s24 =	rddreg [dreg:$0x8]  }
0x4a: {  	[tilespmem:s4], [sflag:$0x1] =	stream.linear.gather [hbm4b:s1+s4], $0x3E8, $0x38;
	[tilespmem:$0xD2F0] =	vst v63  }
0x4b: {  	s2 =	simm.s32 $0x7D0;
	s30 =	rddreg [dreg:$0x9]  }
0x4c: {  	[tilespmem:s2], [sflag:$0x1] =	stream.linear.gather [hbm4b:s3+s4], $0x3E8, $0x38;
	[tilespmem:$0xD2F0] =	vst v63  }
0x4d: {  	s22 =	simm.s32 $0xFA0;
	s1 =	rddreg [dreg:$0xe]  }
0x4e: {  	[tilespmem:s22], [sflag:$0x1] =	stream.linear.gather [hbm4b:s12+s4], $0x3E8, $0x38;
	[tilespmem:$0xD2F0] =	vst v63  }
0x4f: {  	s22 =	rddreg [dreg:$0x11]  }
0x50: {  	[tilespmem:s0], [sflag:$0x2] =	stream.linear.gather [hbm4b:s23+s4], $0x3E8, $0x38;
	[tilespmem:$0xD2F0] =	vst v63  }
0x51: {  	s25 =	simm.s32 $0xBB8;
	s23 =	rddreg [dreg:$0x10]  }
0x52: {  	[tilespmem:s25], [sflag:$0x2] =	stream.linear.gather [hbm4b:s24+s4], $0x3E8, $0x38;
	[tilespmem:$0xD2F0] =	vst v63  }
0x53: {  	s31 =	simm.s32 $0x1388;
	s24 =	rddreg [dreg:$0xf];
	s25 =	simm.s32 $0x0  }
0x54: {  	[tilespmem:s31], [sflag:$0x2] =	stream.linear.gather [hbm4b:s30+s4], $0x3E8, $0x38;
	[tilespmem:$0xD2F0] =	vst v63  }
.LBB2_2:
0x55: {  	_ =	swait.ge [sflag:s13], $0x3E8  }
0x56: {  	[sflag:s13] =	ssyncset.done $0x0  }
0x57: {  	[sflag:s13] =	ssyncadd.s32 $0xFFFFFC18  }
0x58: {  	_ =	swait.ge [sflag:s13], $0x3E8  }
0x59: {  	[sflag:s13] =	ssyncset.done $0x0  }
0x5a: {  	[sflag:s13] =	ssyncadd.s32 $0xFFFFFC18  }
0x5b: {  	_ =	swait.ge [sflag:s13], $0x3E8  }
0x5c: {  	p0 =	sne.s32 s25, $0x0;
	[sflag:s13] =	ssyncset.done $0x0  }
0x5d: {  	s3 =	simm.s32 @p0 $0x5;
	[sflag:s13] =	ssyncadd.s32 $0xFFFFFC18  }
0x5e: {  	_ =	swait.ge @p0 [sflag:s3], $0x1F40  }
0x5f: {  	[sflag:s3] =	ssyncset.done @p0 $0x0  }
0x60: {  	[sflag:s3] =	ssyncadd.s32 @p0 $0xFFFFE0C0  }
0x61: {  	_ =	swait.ge @p0 [sflag:s3], $0x1F40  }
0x62: {  	[sflag:s3] =	ssyncset.done @p0 $0x0  }
0x63: {  	[sflag:s3] =	ssyncadd.s32 @p0 $0xFFFFE0C0  }
0x64: {  	_ =	swait.ge @p0 [sflag:s3], $0x1F40  }
0x65: {  	s30 =	simm.s32 @p0 $0x0;
	[sflag:s3] =	ssyncset.done @p0 $0x0  }
0x66: {  	s31 =	simm.s32 @p0 $0x1770;
	[sflag:s3] =	ssyncadd.s32 @p0 $0xFFFFE0C0;
	s3 =	simm.s32 @p0 $0x3E8  }
0x67: {  	[tilespmem:s31], [sflag:$0x3] =	stream.indirect.gather @p0 [hbm4b:s5+s3], $0x8, s30, s3, $0xb8;
	[tilespmem:$0xD2F0] =	vst v63  }
0x68: {  	s2 =	simm.s32 @p0 $0x55F0;
	s31 =	simm.s32 @p0 $0x7D0  }
0x69: {  	[tilespmem:s2], [sflag:$0x3] =	stream.indirect.gather @p0 [hbm4b:s6+s3], $0x8, s31, s3, $0xb8;
	[tilespmem:$0xD2F0] =	vst v63  }
0x6a: {  	s2 =	simm.s32 @p0 $0xFA0;
	s31 =	simm.s32 @p0 $0x9470  }
0x6b: {  	[tilespmem:s31], [sflag:$0x3] =	stream.indirect.gather @p0 [hbm4b:s7+s3], $0x8, s2, s3, $0xb8;
	[tilespmem:$0xD2F0] =	vst v63  }
0x6c: {  	s2 =	simm.s32 @p0 $0x4  }
0x6d: {  	_ =	swait.ge @p0 [sflag:s2], $0x1F40  }
0x6e: {  	[sflag:s2] =	ssyncset.done @p0 $0x0  }
0x6f: {  	[sflag:s2] =	ssyncadd.s32 @p0 $0xFFFFE0C0  }
0x70: {  	_ =	swait.ge @p0 [sflag:s2], $0x1F40  }
0x71: {  	[sflag:s2] =	ssyncset.done @p0 $0x0  }
0x72: {  	[sflag:s2] =	ssyncadd.s32 @p0 $0xFFFFE0C0  }
0x73: {  	_ =	swait.ge @p0 [sflag:s2], $0x1F40  }
0x74: {  	s31 =	sadd.s32 @p0 s25, s19;
	[sflag:s2] =	ssyncset.done @p0 $0x0  }
0x75: {  	s31 =	sadd.s32 @p0 $0x1FFFFC18, s31;
	[sflag:s2] =	ssyncadd.s32 @p0 $0xFFFFE0C0  }
0x76: {  	s31 =	sand.u32 @p0 $0x1FFFFFF8, s31;
	s2 =	rddreg [dreg:$0x2]  }
0x77: {  	s12 =	simm.s32 @p0 $0x36B0;
	s2 =	sadd.s32 @p0 s2, s31  }
0x78: {  	[hbm4b:s2+s30] =	stream.linear.scatter @p0 [tilespmem:s12], [sflag:$0x6], $0x1F40, $0x38;
	[tilespmem:$0xD2F0] =	vst v63  }
0x79: {  	s2 =	sadd.s32 @p0 s9, s31;
	s12 =	simm.s32 @p0 $0x7530  }
0x7a: {  	[hbm4b:s2+s30] =	stream.linear.scatter @p0 [tilespmem:s12], [sflag:$0x6], $0x1F40, $0x38;
	[tilespmem:$0xD2F0] =	vst v63  }
0x7b: {  	s2 =	sadd.s32 @p0 s10, s31;
	s12 =	simm.s32 @p0 $0xB3B0  }
0x7c: {  	[hbm4b:s2+s30] =	stream.linear.scatter @p0 [tilespmem:s12], [sflag:$0x6], $0x1F40, $0x38;
	[tilespmem:$0xD2F0] =	vst v63  }
0x7d: {  	_ = 	snop  }
0x7e: {  	[tilespmem:s3], [sflag:$0x2] =	stream.linear.gather @p0 [hbm4b:s22+s30], $0x3E8, $0x38;
	[tilespmem:$0xD2F0] =	vst v63  }
0x7f: {  	s2 =	simm.s32 @p0 $0xBB8  }
0x80: {  	[tilespmem:s2], [sflag:$0x2] =	stream.linear.gather @p0 [hbm4b:s24+s30], $0x3E8, $0x38;
	[tilespmem:$0xD2F0] =	vst v63  }
0x81: {  	s2 =	simm.s32 @p0 $0x1388  }
0x82: {  	[tilespmem:s2], [sflag:$0x2] =	stream.linear.gather @p0 [hbm4b:s23+s30], $0x3E8, $0x38;
	[tilespmem:$0xD2F0] =	vst v63  }
0x83: {  	s12 =	simm.s32 @!p0 $0x1770;
	s3 =	simm.s32 @!p0 $0x0;
	s2 =	simm.s32 @!p0 $0x3E8  }
0x84: {  	[tilespmem:s12], [sflag:$0x3] =	stream.indirect.gather @!p0 [hbm4b:s5+s2], $0x8, s3, s2, $0xb8;
	[tilespmem:$0xD2F0] =	vst v63  }
0x85: {  	s3 =	simm.s32 @!p0 $0x7D0;
	s12 =	simm.s32 @!p0 $0x55F0  }
0x86: {  	[tilespmem:s12], [sflag:$0x3] =	stream.indirect.gather @!p0 [hbm4b:s6+s2], $0x8, s3, s2, $0xb8;
	[tilespmem:$0xD2F0] =	vst v63  }
0x87: {  	s3 =	simm.s32 @!p0 $0xFA0;
	s12 =	simm.s32 @!p0 $0x9470  }
0x88: {  	[tilespmem:s12], [sflag:$0x3] =	stream.indirect.gather @!p0 [hbm4b:s7+s2], $0x8, s3, s2, $0xb8;
	[tilespmem:$0xD2F0] =	vst v63  }
0x89: {  	_ =	swait.ge [sflag:s14], $0x3E8  }
0x8a: {  	[sflag:s14] =	ssyncset.done $0x0  }
0x8b: {  	[sflag:s14] =	ssyncadd.s32 $0xFFFFFC18  }
0x8c: {  	_ =	swait.ge [sflag:s14], $0x3E8  }
0x8d: {  	[sflag:s14] =	ssyncset.done $0x0  }
0x8e: {  	[sflag:s14] =	ssyncadd.s32 $0xFFFFFC18  }
0x8f: {  	_ =	swait.ge [sflag:s14], $0x3E8  }
0x90: {  	p0 =	seq.s32 s25, $0x0;
	[sflag:s14] =	ssyncset.done $0x0  }
0x91: {  	s2 =	simm.s32 @!p0 $0x6;
	[sflag:s14] =	ssyncadd.s32 $0xFFFFFC18  }
0x92: {  	_ =	swait.ge @!p0 [sflag:s2], $0x1F40  }
0x93: {  	[sflag:s2] =	ssyncset.done @!p0 $0x0  }
0x94: {  	[sflag:s2] =	ssyncadd.s32 @!p0 $0xFFFFE0C0  }
0x95: {  	_ =	swait.ge @!p0 [sflag:s2], $0x1F40  }
0x96: {  	[sflag:s2] =	ssyncset.done @!p0 $0x0  }
0x97: {  	[sflag:s2] =	ssyncadd.s32 @!p0 $0xFFFFE0C0  }
0x98: {  	_ =	swait.ge @!p0 [sflag:s2], $0x1F40  }
0x99: {  	[sflag:s2] =	ssyncset.done @!p0 $0x0  }
0x9a: {  	[sflag:s2] =	ssyncadd.s32 @!p0 $0xFFFFE0C0  }
0x9b: {  	[tilespmem:s11], [sflag:$0x4] =	stream.indirect.gather [hbm4b:s5+s0], $0x8, s0, s0, $0xb8;
	[tilespmem:$0xD2F0] =	vst v63  }
0x9c: {  	s31 =	simm.s32 $0xBB8  }
0x9d: {  	[tilespmem:s15], [sflag:$0x4] =	stream.indirect.gather [hbm4b:s6+s0], $0x8, s31, s0, $0xb8;
	[tilespmem:$0xD2F0] =	vst v63  }
0x9e: {  	s3 =	simm.s32 $0x1388  }
0x9f: {  	[tilespmem:s16], [sflag:$0x4] =	stream.indirect.gather [hbm4b:s7+s0], $0x8, s3, s0, $0xb8;
	[tilespmem:$0xD2F0] =	vst v63  }
0xa0: {  	_ =	swait.ge [sflag:s17], $0x1F40  }
0xa1: {  	[sflag:s17] =	ssyncset.done $0x0  }
0xa2: {  	[sflag:s17] =	ssyncadd.s32 $0xFFFFE0C0  }
0xa3: {  	_ =	swait.ge [sflag:s17], $0x1F40  }
0xa4: {  	[sflag:s17] =	ssyncset.done $0x0  }
0xa5: {  	[sflag:s17] =	ssyncadd.s32 $0xFFFFE0C0  }
0xa6: {  	_ =	swait.ge [sflag:s17], $0x1F40  }
0xa7: {  	[sflag:s17] =	ssyncset.done $0x0  }
0xa8: {  	s12 =	sadd.s32 s25, s26;
	p0 =	seq.s32 s25, $0xBB80;
	[sflag:s17] =	ssyncadd.s32 $0xFFFFE0C0  }
0xa9: {  	[hbm4b:s12+s4] =	stream.linear.scatter [tilespmem:s18], [sflag:$0x5], $0x1F40, $0x38;
	[tilespmem:$0xD2F0] =	vst v63  }
.Ltmp2:
0xaa: {  	_ = 	snop;
	(pc) =	sbr.rel @p0 .LBB2_4-.Ltmp2, $4  }
0xab: {  	s30 =	sadd.s32 s25, s28  }
0xac: {  	[hbm4b:s30+s4] =	stream.linear.scatter [tilespmem:s20], [sflag:$0x5], $0x1F40, $0x38;
	[tilespmem:$0xD2F0] =	vst v63  }
0xad: {  	s31 =	sadd.s32 s25, s29  }
0xae: {  	[hbm4b:s31+s4] =	stream.linear.scatter [tilespmem:s21], [sflag:$0x5], $0x1F40, $0x38;
	[tilespmem:$0xD2F0] =	vst v63  }
0xaf: {  	s25 =	sadd.s32 $0x7D0, s25  }
0xb0: {  	s2 =	sadd.s32 s19, s25  }
0xb1: {  	s2 =	sshrl.u32 s2, $0x3  }
0xb2: {  	s3 =	sadd.s32 s8, s2  }
0xb3: {  	[tilespmem:s4], [sflag:$0x1] =	stream.linear.gather [hbm4b:s3+s4], $0x3E8, $0x38;
	[tilespmem:$0xD2F0] =	vst v63  }
.Ltmp3:
0xb4: {  	s12 =	simm.s32 $0x7D0;
	s30 =	rddreg [dreg:$0x1];
	(pc) =	sbr.rel .LBB2_2-.Ltmp3, $4  }
0xb5: {  	s31 =	simm.s32 $0xFA0;
	s24 =	sadd.s32 $0xFA, s24;
	s23 =	sadd.s32 $0xFA, s23  }
0xb6: {  	[tilespmem:s12], [sflag:$0x1] =	stream.linear.gather [hbm4b:s1+s4], $0x3E8, $0x38;
	[tilespmem:$0xD2F0] =	vst v63  }
0xb7: {  	s22 =	sadd.s32 $0xFA, s22;
	s2 =	sadd.s32 s30, s2;
	s1 =	sadd.s32 $0xFA, s1  }
0xb8: {  	[tilespmem:s31], [sflag:$0x1] =	stream.linear.gather [hbm4b:s2+s4], $0x3E8, $0x38;
	[tilespmem:$0xD2F0] =	vst v63  }
.LBB2_5:
0xb9: {  	_ =	sfence.sel $0x180000  }
0xba: {  	[bflag:$0x0] =	sbarrier.arrive $0xFFFF  }
0xbb: {  	_ =	strace $0x90000047  }
0xbc: {  	s0 =	stileid.u32;
	[bflag:$0x2] =	sbarrier.arrive $0xFFFF  }
0xbd: {  	p0 =	sne.s32 s0, $0x0;
	s0 =	rddreg [dreg:$0x3]  }
0xbe: {  	s0 =	sadd.s32 @!p0 $0x100000, s0  }
0xbf: {  	[sflag:s0] =	ssyncadd.tile.s32 @!p0 $0x1;
	_ =	shalt  }
.Lfunc_end2:
_tile_overlayer_lowered:
.L_overlay_start_2:
0xc0: {  	(tag) =	ssettag $0x2  }
0xc1: {  	s0 =	rddreg [dreg:$0x0];
	s2 =	stileid.u32  }
0xc2: {  	s1 =	rddreg [dreg:$0x1];
	p0 =	sne.s32 s2, $0x0  }
0xc3: {  	s3 =	rddreg [dreg:$0x2];
	[bflag:$0x3] =	sbarrier.arrive $0xFFFF;
	s2 =	simm.s32 @!p0 $0x1C07  }
0xc4: {  	[timem:s3], [sflag:s2] =	dma.local @!p0 [hbm:s0], s1  }
0xc5: {  	s0 =	simm.s32 @!p0 $0x7  }
0xc6: {  	_ =	swait.ge @!p0 [sflag:s0], s1  }
0xc7: {  	s1 =	ssub.s32 @!p0 $0x0, s1;
	[sflag:s0] =	ssyncset.done @!p0 $0x0  }
0xc8: {  	[sflag:s0] =	ssyncadd.s32 @!p0 s1  }
0xc9: {  	[bflag:$0x3] =	sbarrier.arrive $0xFFFF  }
0xca: {  	_ =	shalt  }

</sc_bundles>
